<compile_context>
chip_gen: v7x
topology: tpu7x:2x2x1
jax: 0.10.2.dev20260603
libtpu: 0.0.44.dev20260713+nightly
codegen_flags: <defaults>
</compile_context>

<pallas_src>
import jax
import jax.numpy as jnp
from jax import lax
from jax.experimental import pallas as pl
from jax.experimental.pallas import tpu as pltpu
from jax.experimental.pallas import tpu_sc as plsc

D = 128
EPS = 1e-12
NW = 32
CHUNK = 64
NBUF = 10
LN_BLK = 10000


def _ln_table_body(x_ref, w_ref, b_ref, o_ref):
    x = x_ref[...]
    mean = jnp.mean(x, axis=1, keepdims=True)
    xc = x - mean
    var = jnp.mean(xc * xc, axis=1, keepdims=True)
    o_ref[...] = xc * lax.rsqrt(var + EPS) * w_ref[...] + b_ref[...]


def _gather_body(ids_hbm, table_hbm, out_hbm, idx_v, *rest):
    bufs = rest[:NBUF]
    sg = rest[NBUF:2 * NBUF]
    ss = rest[2 * NBUF:3 * NBUF]
    npw = ids_hbm.shape[0] // NW
    ncw = npw // CHUNK
    ngroups = ncw // NBUF
    wid = lax.axis_index("s") * 2 + lax.axis_index("c")
    rbase = pl.multiple_of(wid * npw, CHUNK)
    pltpu.sync_copy(ids_hbm.at[pl.ds(rbase, npw)], idx_v)

    def start_gather(j, buf, sem):
        coff = pl.multiple_of(j * CHUNK, CHUNK)
        pltpu.async_copy(table_hbm.at[idx_v.at[pl.ds(coff, CHUNK)]], buf, sem)

    def wait_gather(buf, sem):
        pltpu.make_async_copy(table_hbm.at[pl.ds(0, CHUNK)], buf, sem).wait()

    def start_store(j, buf, sem):
        ooff = pl.multiple_of(rbase + j * CHUNK, CHUNK)
        pltpu.async_copy(buf, out_hbm.at[pl.ds(ooff, CHUNK)], sem)

    def wait_store(buf, sem):
        pltpu.make_async_copy(buf, out_hbm.at[pl.ds(rbase, CHUNK)], sem).wait()

    for b in range(NBUF):
        start_gather(b, bufs[b], sg[b])

    def group(k, c):
        j0 = NBUF * k
        for b in range(NBUF):
            wait_gather(bufs[b], sg[b])
            start_store(j0 + b, bufs[b], ss[b])

        @pl.when(k < ngroups - 1)
        def _prefetch():
            for b in range(NBUF):
                wait_store(bufs[b], ss[b])
                start_gather(j0 + NBUF + b, bufs[b], sg[b])

        return c

    lax.fori_loop(0, ngroups, group, 0)
    for b in range(NBUF):
        wait_store(bufs[b], ss[b])


def kernel(input_ids, word_embeddings, ln_weight, ln_bias):
    B, T = input_ids.shape
    V, Dd = word_embeddings.shape
    N = B * T

    ln_table = pl.pallas_call(
        _ln_table_body,
        grid=(V // LN_BLK,),
        in_specs=[
            pl.BlockSpec((LN_BLK, Dd), lambda i: (i, 0)),
            pl.BlockSpec((Dd,), lambda i: (0,)),
            pl.BlockSpec((Dd,), lambda i: (0,)),
        ],
        out_specs=pl.BlockSpec((LN_BLK, Dd), lambda i: (i, 0)),
        out_shape=jax.ShapeDtypeStruct((V, Dd), jnp.float32),
    )(word_embeddings, ln_weight, ln_bias)

    ids_flat = input_ids.reshape(N)
    mesh = plsc.VectorSubcoreMesh(core_axis_name="c", subcore_axis_name="s")
    f = pl.kernel(
        _gather_body,
        mesh=mesh,
        out_type=jax.ShapeDtypeStruct((N, Dd), jnp.float32),
        scratch_types=(
            [pltpu.VMEM((N // NW,), jnp.int32)]
            + [pltpu.VMEM((CHUNK, Dd), jnp.float32) for _ in range(NBUF)]
            + [pltpu.SemaphoreType.DMA for _ in range(2 * NBUF)]
        ),
    )
    out = f(ids_flat, ln_table)
    return out.reshape(B, T, Dd)

# --- scband reference (transcript-rebuilt; emitter-appended) ---
"""Pipeline reference for scband-bert-embeddings-7851200217684 (READ-ONLY COPY).

The authoritative reference and input builder live on the scoring server;
editing this copy changes nothing except your own understanding.
"""

import jax, jax.numpy as jnp
import numpy as np

VOCAB = 100000
HIDDEN = 128
PAD_IDX = 0
EPS = 1e-12


def setup_inputs(seed: int = 0) -> dict:
    key = jax.random.key(seed)
    k1, k2, k3 = jax.random.split(key, 3)
    input_ids = jax.random.randint(k1, (1024, 200), 0, VOCAB, dtype=jnp.int64 if jax.config.jax_enable_x64 else jnp.int32).astype(jnp.int32)
    word_embeddings = jax.random.normal(k2, (VOCAB, HIDDEN), dtype=jnp.float32) * 0.02
    # padding_idx row is initialized to zeros in torch nn.Embedding
    word_embeddings = word_embeddings.at[PAD_IDX].set(0.0)
    ln_weight = jnp.ones((HIDDEN,), dtype=jnp.float32)
    ln_bias = jnp.zeros((HIDDEN,), dtype=jnp.float32)
    return {"input_ids": input_ids, "word_embeddings": word_embeddings, "ln_weight": ln_weight, "ln_bias": ln_bias}


def reference(input_ids, word_embeddings, ln_weight, ln_bias):
    # embedding lookup (gather)
    inputs_embeds = jnp.take(word_embeddings, input_ids, axis=0)
    # LayerNorm over last dim
    mean = jnp.mean(inputs_embeds, axis=-1, keepdims=True)
    var = jnp.mean(jnp.square(inputs_embeds - mean), axis=-1, keepdims=True)
    normed = (inputs_embeds - mean) / jnp.sqrt(var + EPS)
    embeddings = normed * ln_weight + ln_bias
    # dropout is identity in eval mode
    return embeddings

if __name__ == "__main__":
    import jax
    _d = setup_inputs()
    print(jax.jit(kernel)(*tuple(_d.values())))

</pallas_src>

<mosaic_0001>
#map = affine_map<(d0, d1) -> (0)>
#map1 = affine_map<(d0, d1) -> (0, 0)>
module attributes {stable_mosaic.version = 14 : i64} {
  func.func @_gather_body(%arg0: i32, %arg1: i32, %arg2: memref<204800xi32, #tpu.memory_space<hbm>>, %arg3: memref<100000x128xf32, #tpu.memory_space<hbm>>, %arg4: memref<204800x128xf32, #tpu.memory_space<hbm>>, %arg5: memref<6400xi32, #tpu.memory_space<vmem>>, %arg6: memref<64x128xf32, #tpu.memory_space<vmem>>, %arg7: memref<64x128xf32, #tpu.memory_space<vmem>>, %arg8: memref<64x128xf32, #tpu.memory_space<vmem>>, %arg9: memref<64x128xf32, #tpu.memory_space<vmem>>, %arg10: memref<64x128xf32, #tpu.memory_space<vmem>>, %arg11: memref<64x128xf32, #tpu.memory_space<vmem>>, %arg12: memref<64x128xf32, #tpu.memory_space<vmem>>, %arg13: memref<64x128xf32, #tpu.memory_space<vmem>>, %arg14: memref<64x128xf32, #tpu.memory_space<vmem>>, %arg15: memref<64x128xf32, #tpu.memory_space<vmem>>, %arg16: memref<!tpu.dma_semaphore, #tpu.memory_space<semaphore_mem>>, %arg17: memref<!tpu.dma_semaphore, #tpu.memory_space<semaphore_mem>>, %arg18: memref<!tpu.dma_semaphore, #tpu.memory_space<semaphore_mem>>, %arg19: memref<!tpu.dma_semaphore, #tpu.memory_space<semaphore_mem>>, %arg20: memref<!tpu.dma_semaphore, #tpu.memory_space<semaphore_mem>>, %arg21: memref<!tpu.dma_semaphore, #tpu.memory_space<semaphore_mem>>, %arg22: memref<!tpu.dma_semaphore, #tpu.memory_space<semaphore_mem>>, %arg23: memref<!tpu.dma_semaphore, #tpu.memory_space<semaphore_mem>>, %arg24: memref<!tpu.dma_semaphore, #tpu.memory_space<semaphore_mem>>, %arg25: memref<!tpu.dma_semaphore, #tpu.memory_space<semaphore_mem>>, %arg26: memref<!tpu.dma_semaphore, #tpu.memory_space<semaphore_mem>>, %arg27: memref<!tpu.dma_semaphore, #tpu.memory_space<semaphore_mem>>, %arg28: memref<!tpu.dma_semaphore, #tpu.memory_space<semaphore_mem>>, %arg29: memref<!tpu.dma_semaphore, #tpu.memory_space<semaphore_mem>>, %arg30: memref<!tpu.dma_semaphore, #tpu.memory_space<semaphore_mem>>, %arg31: memref<!tpu.dma_semaphore, #tpu.memory_space<semaphore_mem>>, %arg32: memref<!tpu.dma_semaphore, #tpu.memory_space<semaphore_mem>>, %arg33: memref<!tpu.dma_semaphore, #tpu.memory_space<semaphore_mem>>, %arg34: memref<!tpu.dma_semaphore, #tpu.memory_space<semaphore_mem>>, %arg35: memref<!tpu.dma_semaphore, #tpu.memory_space<semaphore_mem>>) attributes {dimension_semantics = [#tpu.dimension_semantics<core_parallel>, #tpu.dimension_semantics<subcore_parallel>], iteration_bounds = array<i64: 2, 16>, scalar_prefetch = 0 : i64, scratch_operands = 31 : i64, tpu.core_type = #tpu.core_type<sc_vector_subcore>, window_params = [{transform_indices = #map}, {transform_indices = #map1}, {transform_indices = #map1}]} {
    %mul3A = arith.constant 2 : i32
    %mul3A_0 = arith.muli %arg1, %mul3A : i32
    %add3A = arith.addi %mul3A_0, %arg0 : i32
    %mul3A_1 = arith.constant 6400 : i32
    %mul3A_2 = arith.muli %add3A, %mul3A_1 : i32
    %multiple_of3A = tpu.assume_multiple %mul3A_2, 64 : i32
    "tpu.region"() ({
      %run_scoped3A = tpu.sem_alloc : memref<!tpu.dma_semaphore, #tpu.memory_space<semaphore_mem>>
      %dma_start3A_106 = tpu.memref_slice %arg2[%multiple_of3A] : memref<204800xi32, #tpu.memory_space<hbm>> -> memref<6400xi32, #tpu.memory_space<hbm>>
      %dma_start3A_107 = tpu.memref_slice %arg2[%multiple_of3A] : memref<204800xi32, #tpu.memory_space<hbm>> -> memref<6400xi32, #tpu.memory_space<hbm>>
      tpu.enqueue_dma source(%dma_start3A_107 : memref<6400xi32, #tpu.memory_space<hbm>>) target(%arg5 : memref<6400xi32, #tpu.memory_space<vmem>>) target_semaphore(%run_scoped3A : memref<!tpu.dma_semaphore, #tpu.memory_space<semaphore_mem>>)
      %dma_wait3A_108 = tpu.memref_slice %arg2[%multiple_of3A] : memref<204800xi32, #tpu.memory_space<hbm>> -> memref<6400xi32, #tpu.memory_space<hbm>>
      %dma_wait3A_109 = tpu.memref_slice %arg2[%multiple_of3A] : memref<204800xi32, #tpu.memory_space<hbm>> -> memref<6400xi32, #tpu.memory_space<hbm>>
      tpu.wait_dma2 semaphore(%run_scoped3A : memref<!tpu.dma_semaphore, #tpu.memory_space<semaphore_mem>>) src(%dma_wait3A_109 : memref<6400xi32, #tpu.memory_space<hbm>>) dst(%arg5 : memref<6400xi32, #tpu.memory_space<vmem>>)
      tpu.yield
    }) : () -> ()
    %multiple_of3A_3 = arith.constant 0 : i32
    %multiple_of3A_4 = tpu.assume_multiple %multiple_of3A_3, 64 : i32
    %dma_start3A = tpu.memref_slice %arg5[%multiple_of3A_4] : memref<6400xi32, #tpu.memory_space<vmem>> -> memref<64xi32, #tpu.memory_space<vmem>>
    %dma_start3A_5 = arith.constant 0 : i32
    %dma_start3A_6 = arith.constant 0 : i32
    %dma_start3A_7 = tpu.memref_slice %arg3[%dma_start3A_5, %dma_start3A_6] : memref<100000x128xf32, #tpu.memory_space<hbm>> -> memref<100000x128xf32, #tpu.memory_space<hbm>>
    tpu.enqueue_indirect_dma source(%dma_start3A_7 : memref<100000x128xf32, #tpu.memory_space<hbm>>) target(%arg6 : memref<64x128xf32, #tpu.memory_space<vmem>>) offsets(%dma_start3A : memref<64xi32, #tpu.memory_space<vmem>>) semaphore(%arg16 : memref<!tpu.dma_semaphore, #tpu.memory_space<semaphore_mem>>)
    %multiple_of3A_8 = arith.constant 64 : i32
    %multiple_of3A_9 = tpu.assume_multiple %multiple_of3A_8, 64 : i32
    %dma_start3A_10 = tpu.memref_slice %arg5[%multiple_of3A_9] : memref<6400xi32, #tpu.memory_space<vmem>> -> memref<64xi32, #tpu.memory_space<vmem>>
    %dma_start3A_11 = arith.constant 0 : i32
    %dma_start3A_12 = arith.constant 0 : i32
    %dma_start3A_13 = tpu.memref_slice %arg3[%dma_start3A_11, %dma_start3A_12] : memref<100000x128xf32, #tpu.memory_space<hbm>> -> memref<100000x128xf32, #tpu.memory_space<hbm>>
    tpu.enqueue_indirect_dma source(%dma_start3A_13 : memref<100000x128xf32, #tpu.memory_space<hbm>>) target(%arg7 : memref<64x128xf32, #tpu.memory_space<vmem>>) offsets(%dma_start3A_10 : memref<64xi32, #tpu.memory_space<vmem>>) semaphore(%arg17 : memref<!tpu.dma_semaphore, #tpu.memory_space<semaphore_mem>>)
    %multiple_of3A_14 = arith.constant 128 : i32
    %multiple_of3A_15 = tpu.assume_multiple %multiple_of3A_14, 64 : i32
    %dma_start3A_16 = tpu.memref_slice %arg5[%multiple_of3A_15] : memref<6400xi32, #tpu.memory_space<vmem>> -> memref<64xi32, #tpu.memory_space<vmem>>
    %dma_start3A_17 = arith.constant 0 : i32
    %dma_start3A_18 = arith.constant 0 : i32
    %dma_start3A_19 = tpu.memref_slice %arg3[%dma_start3A_17, %dma_start3A_18] : memref<100000x128xf32, #tpu.memory_space<hbm>> -> memref<100000x128xf32, #tpu.memory_space<hbm>>
    tpu.enqueue_indirect_dma source(%dma_start3A_19 : memref<100000x128xf32, #tpu.memory_space<hbm>>) target(%arg8 : memref<64x128xf32, #tpu.memory_space<vmem>>) offsets(%dma_start3A_16 : memref<64xi32, #tpu.memory_space<vmem>>) semaphore(%arg18 : memref<!tpu.dma_semaphore, #tpu.memory_space<semaphore_mem>>)
    %multiple_of3A_20 = arith.constant 192 : i32
    %multiple_of3A_21 = tpu.assume_multiple %multiple_of3A_20, 64 : i32
    %dma_start3A_22 = tpu.memref_slice %arg5[%multiple_of3A_21] : memref<6400xi32, #tpu.memory_space<vmem>> -> memref<64xi32, #tpu.memory_space<vmem>>
    %dma_start3A_23 = arith.constant 0 : i32
    %dma_start3A_24 = arith.constant 0 : i32
    %dma_start3A_25 = tpu.memref_slice %arg3[%dma_start3A_23, %dma_start3A_24] : memref<100000x128xf32, #tpu.memory_space<hbm>> -> memref<100000x128xf32, #tpu.memory_space<hbm>>
    tpu.enqueue_indirect_dma source(%dma_start3A_25 : memref<100000x128xf32, #tpu.memory_space<hbm>>) target(%arg9 : memref<64x128xf32, #tpu.memory_space<vmem>>) offsets(%dma_start3A_22 : memref<64xi32, #tpu.memory_space<vmem>>) semaphore(%arg19 : memref<!tpu.dma_semaphore, #tpu.memory_space<semaphore_mem>>)
    %multiple_of3A_26 = arith.constant 256 : i32
    %multiple_of3A_27 = tpu.assume_multiple %multiple_of3A_26, 64 : i32
    %dma_start3A_28 = tpu.memref_slice %arg5[%multiple_of3A_27] : memref<6400xi32, #tpu.memory_space<vmem>> -> memref<64xi32, #tpu.memory_space<vmem>>
    %dma_start3A_29 = arith.constant 0 : i32
    %dma_start3A_30 = arith.constant 0 : i32
    %dma_start3A_31 = tpu.memref_slice %arg3[%dma_start3A_29, %dma_start3A_30] : memref<100000x128xf32, #tpu.memory_space<hbm>> -> memref<100000x128xf32, #tpu.memory_space<hbm>>
    tpu.enqueue_indirect_dma source(%dma_start3A_31 : memref<100000x128xf32, #tpu.memory_space<hbm>>) target(%arg10 : memref<64x128xf32, #tpu.memory_space<vmem>>) offsets(%dma_start3A_28 : memref<64xi32, #tpu.memory_space<vmem>>) semaphore(%arg20 : memref<!tpu.dma_semaphore, #tpu.memory_space<semaphore_mem>>)
    %multiple_of3A_32 = arith.constant 320 : i32
    %multiple_of3A_33 = tpu.assume_multiple %multiple_of3A_32, 64 : i32
    %dma_start3A_34 = tpu.memref_slice %arg5[%multiple_of3A_33] : memref<6400xi32, #tpu.memory_space<vmem>> -> memref<64xi32, #tpu.memory_space<vmem>>
    %dma_start3A_35 = arith.constant 0 : i32
    %dma_start3A_36 = arith.constant 0 : i32
    %dma_start3A_37 = tpu.memref_slice %arg3[%dma_start3A_35, %dma_start3A_36] : memref<100000x128xf32, #tpu.memory_space<hbm>> -> memref<100000x128xf32, #tpu.memory_space<hbm>>
    tpu.enqueue_indirect_dma source(%dma_start3A_37 : memref<100000x128xf32, #tpu.memory_space<hbm>>) target(%arg11 : memref<64x128xf32, #tpu.memory_space<vmem>>) offsets(%dma_start3A_34 : memref<64xi32, #tpu.memory_space<vmem>>) semaphore(%arg21 : memref<!tpu.dma_semaphore, #tpu.memory_space<semaphore_mem>>)
    %multiple_of3A_38 = arith.constant 384 : i32
    %multiple_of3A_39 = tpu.assume_multiple %multiple_of3A_38, 64 : i32
    %dma_start3A_40 = tpu.memref_slice %arg5[%multiple_of3A_39] : memref<6400xi32, #tpu.memory_space<vmem>> -> memref<64xi32, #tpu.memory_space<vmem>>
    %dma_start3A_41 = arith.constant 0 : i32
    %dma_start3A_42 = arith.constant 0 : i32
    %dma_start3A_43 = tpu.memref_slice %arg3[%dma_start3A_41, %dma_start3A_42] : memref<100000x128xf32, #tpu.memory_space<hbm>> -> memref<100000x128xf32, #tpu.memory_space<hbm>>
    tpu.enqueue_indirect_dma source(%dma_start3A_43 : memref<100000x128xf32, #tpu.memory_space<hbm>>) target(%arg12 : memref<64x128xf32, #tpu.memory_space<vmem>>) offsets(%dma_start3A_40 : memref<64xi32, #tpu.memory_space<vmem>>) semaphore(%arg22 : memref<!tpu.dma_semaphore, #tpu.memory_space<semaphore_mem>>)
    %multiple_of3A_44 = arith.constant 448 : i32
    %multiple_of3A_45 = tpu.assume_multiple %multiple_of3A_44, 64 : i32
    %dma_start3A_46 = tpu.memref_slice %arg5[%multiple_of3A_45] : memref<6400xi32, #tpu.memory_space<vmem>> -> memref<64xi32, #tpu.memory_space<vmem>>
    %dma_start3A_47 = arith.constant 0 : i32
    %dma_start3A_48 = arith.constant 0 : i32
    %dma_start3A_49 = tpu.memref_slice %arg3[%dma_start3A_47, %dma_start3A_48] : memref<100000x128xf32, #tpu.memory_space<hbm>> -> memref<100000x128xf32, #tpu.memory_space<hbm>>
    tpu.enqueue_indirect_dma source(%dma_start3A_49 : memref<100000x128xf32, #tpu.memory_space<hbm>>) target(%arg13 : memref<64x128xf32, #tpu.memory_space<vmem>>) offsets(%dma_start3A_46 : memref<64xi32, #tpu.memory_space<vmem>>) semaphore(%arg23 : memref<!tpu.dma_semaphore, #tpu.memory_space<semaphore_mem>>)
    %multiple_of3A_50 = arith.constant 512 : i32
    %multiple_of3A_51 = tpu.assume_multiple %multiple_of3A_50, 64 : i32
    %dma_start3A_52 = tpu.memref_slice %arg5[%multiple_of3A_51] : memref<6400xi32, #tpu.memory_space<vmem>> -> memref<64xi32, #tpu.memory_space<vmem>>
    %dma_start3A_53 = arith.constant 0 : i32
    %dma_start3A_54 = arith.constant 0 : i32
    %dma_start3A_55 = tpu.memref_slice %arg3[%dma_start3A_53, %dma_start3A_54] : memref<100000x128xf32, #tpu.memory_space<hbm>> -> memref<100000x128xf32, #tpu.memory_space<hbm>>
    tpu.enqueue_indirect_dma source(%dma_start3A_55 : memref<100000x128xf32, #tpu.memory_space<hbm>>) target(%arg14 : memref<64x128xf32, #tpu.memory_space<vmem>>) offsets(%dma_start3A_52 : memref<64xi32, #tpu.memory_space<vmem>>) semaphore(%arg24 : memref<!tpu.dma_semaphore, #tpu.memory_space<semaphore_mem>>)
    %multiple_of3A_56 = arith.constant 576 : i32
    %multiple_of3A_57 = tpu.assume_multiple %multiple_of3A_56, 64 : i32
    %dma_start3A_58 = tpu.memref_slice %arg5[%multiple_of3A_57] : memref<6400xi32, #tpu.memory_space<vmem>> -> memref<64xi32, #tpu.memory_space<vmem>>
    %dma_start3A_59 = arith.constant 0 : i32
    %dma_start3A_60 = arith.constant 0 : i32
    %dma_start3A_61 = tpu.memref_slice %arg3[%dma_start3A_59, %dma_start3A_60] : memref<100000x128xf32, #tpu.memory_space<hbm>> -> memref<100000x128xf32, #tpu.memory_space<hbm>>
    tpu.enqueue_indirect_dma source(%dma_start3A_61 : memref<100000x128xf32, #tpu.memory_space<hbm>>) target(%arg15 : memref<64x128xf32, #tpu.memory_space<vmem>>) offsets(%dma_start3A_58 : memref<64xi32, #tpu.memory_space<vmem>>) semaphore(%arg25 : memref<!tpu.dma_semaphore, #tpu.memory_space<semaphore_mem>>)
    %scan3A = arith.constant 0 : i32
    %scan3A_62 = arith.constant 0 : i32
    %scan3A_63 = arith.constant 10 : i32
    %scan3A_64 = arith.addi %scan3A_62, %scan3A_63 : i32
    %scan3A_65 = arith.constant 1 : i32
    scf.for %scan3A_106 = %scan3A_62 to %scan3A_64 step %scan3A_65  : i32 {
      %mul3A_107 = arith.constant 10 : i32
      %mul3A_108 = arith.muli %mul3A_107, %scan3A_106 : i32
      %dma_wait3A_109 = arith.constant 0 : i32
      %dma_wait3A_110 = arith.constant 0 : i32
      %dma_wait3A_111 = tpu.memref_slice %arg3[%dma_wait3A_109, %dma_wait3A_110] : memref<100000x128xf32, #tpu.memory_space<hbm>> -> memref<64x128xf32, #tpu.memory_space<hbm>>
      %dma_wait3A_112 = arith.constant 0 : i32
      %dma_wait3A_113 = arith.constant 0 : i32
      %dma_wait3A_114 = tpu.memref_slice %arg3[%dma_wait3A_112, %dma_wait3A_113] : memref<100000x128xf32, #tpu.memory_space<hbm>> -> memref<64x128xf32, #tpu.memory_space<hbm>>
      tpu.wait_dma2 semaphore(%arg16 : memref<!tpu.dma_semaphore, #tpu.memory_space<semaphore_mem>>) src(%dma_wait3A_114 : memref<64x128xf32, #tpu.memory_space<hbm>>) dst(%arg6 : memref<64x128xf32, #tpu.memory_space<vmem>>)
      %add3A_115 = arith.constant 0 : i32
      %add3A_116 = arith.addi %mul3A_108, %add3A_115 : i32
      %mul3A_117 = arith.constant 64 : i32
      %mul3A_118 = arith.muli %add3A_116, %mul3A_117 : i32
      %add3A_119 = arith.addi %multiple_of3A, %mul3A_118 : i32
      %multiple_of3A_120 = tpu.assume_multiple %add3A_119, 64 : i32
      %dma_start3A_121 = arith.constant 0 : i32
      %dma_start3A_122 = tpu.memref_slice %arg4[%multiple_of3A_120, %dma_start3A_121] : memref<204800x128xf32, #tpu.memory_space<hbm>> -> memref<64x128xf32, #tpu.memory_space<hbm>>
      %dma_start3A_123 = arith.constant 0 : i32
      %dma_start3A_124 = tpu.memref_slice %arg4[%multiple_of3A_120, %dma_start3A_123] : memref<204800x128xf32, #tpu.memory_space<hbm>> -> memref<64x128xf32, #tpu.memory_space<hbm>>
      tpu.enqueue_dma source(%arg6 : memref<64x128xf32, #tpu.memory_space<vmem>>) target(%dma_start3A_124 : memref<64x128xf32, #tpu.memory_space<hbm>>) target_semaphore(%arg26 : memref<!tpu.dma_semaphore, #tpu.memory_space<semaphore_mem>>)
      %dma_wait3A_125 = arith.constant 0 : i32
      %dma_wait3A_126 = arith.constant 0 : i32
      %dma_wait3A_127 = tpu.memref_slice %arg3[%dma_wait3A_125, %dma_wait3A_126] : memref<100000x128xf32, #tpu.memory_space<hbm>> -> memref<64x128xf32, #tpu.memory_space<hbm>>
      %dma_wait3A_128 = arith.constant 0 : i32
      %dma_wait3A_129 = arith.constant 0 : i32
      %dma_wait3A_130 = tpu.memref_slice %arg3[%dma_wait3A_128, %dma_wait3A_129] : memref<100000x128xf32, #tpu.memory_space<hbm>> -> memref<64x128xf32, #tpu.memory_space<hbm>>
      tpu.wait_dma2 semaphore(%arg17 : memref<!tpu.dma_semaphore, #tpu.memory_space<semaphore_mem>>) src(%dma_wait3A_130 : memref<64x128xf32, #tpu.memory_space<hbm>>) dst(%arg7 : memref<64x128xf32, #tpu.memory_space<vmem>>)
      %add3A_131 = arith.constant 1 : i32
      %add3A_132 = arith.addi %mul3A_108, %add3A_131 : i32
      %mul3A_133 = arith.constant 64 : i32
      %mul3A_134 = arith.muli %add3A_132, %mul3A_133 : i32
      %add3A_135 = arith.addi %multiple_of3A, %mul3A_134 : i32
      %multiple_of3A_136 = tpu.assume_multiple %add3A_135, 64 : i32
      %dma_start3A_137 = arith.constant 0 : i32
      %dma_start3A_138 = tpu.memref_slice %arg4[%multiple_of3A_136, %dma_start3A_137] : memref<204800x128xf32, #tpu.memory_space<hbm>> -> memref<64x128xf32, #tpu.memory_space<hbm>>
      %dma_start3A_139 = arith.constant 0 : i32
      %dma_start3A_140 = tpu.memref_slice %arg4[%multiple_of3A_136, %dma_start3A_139] : memref<204800x128xf32, #tpu.memory_space<hbm>> -> memref<64x128xf32, #tpu.memory_space<hbm>>
      tpu.enqueue_dma source(%arg7 : memref<64x128xf32, #tpu.memory_space<vmem>>) target(%dma_start3A_140 : memref<64x128xf32, #tpu.memory_space<hbm>>) target_semaphore(%arg27 : memref<!tpu.dma_semaphore, #tpu.memory_space<semaphore_mem>>)
      %dma_wait3A_141 = arith.constant 0 : i32
      %dma_wait3A_142 = arith.constant 0 : i32
      %dma_wait3A_143 = tpu.memref_slice %arg3[%dma_wait3A_141, %dma_wait3A_142] : memref<100000x128xf32, #tpu.memory_space<hbm>> -> memref<64x128xf32, #tpu.memory_space<hbm>>
      %dma_wait3A_144 = arith.constant 0 : i32
      %dma_wait3A_145 = arith.constant 0 : i32
      %dma_wait3A_146 = tpu.memref_slice %arg3[%dma_wait3A_144, %dma_wait3A_145] : memref<100000x128xf32, #tpu.memory_space<hbm>> -> memref<64x128xf32, #tpu.memory_space<hbm>>
      tpu.wait_dma2 semaphore(%arg18 : memref<!tpu.dma_semaphore, #tpu.memory_space<semaphore_mem>>) src(%dma_wait3A_146 : memref<64x128xf32, #tpu.memory_space<hbm>>) dst(%arg8 : memref<64x128xf32, #tpu.memory_space<vmem>>)
      %add3A_147 = arith.constant 2 : i32
      %add3A_148 = arith.addi %mul3A_108, %add3A_147 : i32
      %mul3A_149 = arith.constant 64 : i32
      %mul3A_150 = arith.muli %add3A_148, %mul3A_149 : i32
      %add3A_151 = arith.addi %multiple_of3A, %mul3A_150 : i32
      %multiple_of3A_152 = tpu.assume_multiple %add3A_151, 64 : i32
      %dma_start3A_153 = arith.constant 0 : i32
      %dma_start3A_154 = tpu.memref_slice %arg4[%multiple_of3A_152, %dma_start3A_153] : memref<204800x128xf32, #tpu.memory_space<hbm>> -> memref<64x128xf32, #tpu.memory_space<hbm>>
      %dma_start3A_155 = arith.constant 0 : i32
      %dma_start3A_156 = tpu.memref_slice %arg4[%multiple_of3A_152, %dma_start3A_155] : memref<204800x128xf32, #tpu.memory_space<hbm>> -> memref<64x128xf32, #tpu.memory_space<hbm>>
      tpu.enqueue_dma source(%arg8 : memref<64x128xf32, #tpu.memory_space<vmem>>) target(%dma_start3A_156 : memref<64x128xf32, #tpu.memory_space<hbm>>) target_semaphore(%arg28 : memref<!tpu.dma_semaphore, #tpu.memory_space<semaphore_mem>>)
      %dma_wait3A_157 = arith.constant 0 : i32
      %dma_wait3A_158 = arith.constant 0 : i32
      %dma_wait3A_159 = tpu.memref_slice %arg3[%dma_wait3A_157, %dma_wait3A_158] : memref<100000x128xf32, #tpu.memory_space<hbm>> -> memref<64x128xf32, #tpu.memory_space<hbm>>
      %dma_wait3A_160 = arith.constant 0 : i32
      %dma_wait3A_161 = arith.constant 0 : i32
      %dma_wait3A_162 = tpu.memref_slice %arg3[%dma_wait3A_160, %dma_wait3A_161] : memref<100000x128xf32, #tpu.memory_space<hbm>> -> memref<64x128xf32, #tpu.memory_space<hbm>>
      tpu.wait_dma2 semaphore(%arg19 : memref<!tpu.dma_semaphore, #tpu.memory_space<semaphore_mem>>) src(%dma_wait3A_162 : memref<64x128xf32, #tpu.memory_space<hbm>>) dst(%arg9 : memref<64x128xf32, #tpu.memory_space<vmem>>)
      %add3A_163 = arith.constant 3 : i32
      %add3A_164 = arith.addi %mul3A_108, %add3A_163 : i32
      %mul3A_165 = arith.constant 64 : i32
      %mul3A_166 = arith.muli %add3A_164, %mul3A_165 : i32
      %add3A_167 = arith.addi %multiple_of3A, %mul3A_166 : i32
      %multiple_of3A_168 = tpu.assume_multiple %add3A_167, 64 : i32
      %dma_start3A_169 = arith.constant 0 : i32
      %dma_start3A_170 = tpu.memref_slice %arg4[%multiple_of3A_168, %dma_start3A_169] : memref<204800x128xf32, #tpu.memory_space<hbm>> -> memref<64x128xf32, #tpu.memory_space<hbm>>
      %dma_start3A_171 = arith.constant 0 : i32
      %dma_start3A_172 = tpu.memref_slice %arg4[%multiple_of3A_168, %dma_start3A_171] : memref<204800x128xf32, #tpu.memory_space<hbm>> -> memref<64x128xf32, #tpu.memory_space<hbm>>
      tpu.enqueue_dma source(%arg9 : memref<64x128xf32, #tpu.memory_space<vmem>>) target(%dma_start3A_172 : memref<64x128xf32, #tpu.memory_space<hbm>>) target_semaphore(%arg29 : memref<!tpu.dma_semaphore, #tpu.memory_space<semaphore_mem>>)
      %dma_wait3A_173 = arith.constant 0 : i32
      %dma_wait3A_174 = arith.constant 0 : i32
      %dma_wait3A_175 = tpu.memref_slice %arg3[%dma_wait3A_173, %dma_wait3A_174] : memref<100000x128xf32, #tpu.memory_space<hbm>> -> memref<64x128xf32, #tpu.memory_space<hbm>>
      %dma_wait3A_176 = arith.constant 0 : i32
      %dma_wait3A_177 = arith.constant 0 : i32
      %dma_wait3A_178 = tpu.memref_slice %arg3[%dma_wait3A_176, %dma_wait3A_177] : memref<100000x128xf32, #tpu.memory_space<hbm>> -> memref<64x128xf32, #tpu.memory_space<hbm>>
      tpu.wait_dma2 semaphore(%arg20 : memref<!tpu.dma_semaphore, #tpu.memory_space<semaphore_mem>>) src(%dma_wait3A_178 : memref<64x128xf32, #tpu.memory_space<hbm>>) dst(%arg10 : memref<64x128xf32, #tpu.memory_space<vmem>>)
      %add3A_179 = arith.constant 4 : i32
      %add3A_180 = arith.addi %mul3A_108, %add3A_179 : i32
      %mul3A_181 = arith.constant 64 : i32
      %mul3A_182 = arith.muli %add3A_180, %mul3A_181 : i32
      %add3A_183 = arith.addi %multiple_of3A, %mul3A_182 : i32
      %multiple_of3A_184 = tpu.assume_multiple %add3A_183, 64 : i32
      %dma_start3A_185 = arith.constant 0 : i32
      %dma_start3A_186 = tpu.memref_slice %arg4[%multiple_of3A_184, %dma_start3A_185] : memref<204800x128xf32, #tpu.memory_space<hbm>> -> memref<64x128xf32, #tpu.memory_space<hbm>>
      %dma_start3A_187 = arith.constant 0 : i32
      %dma_start3A_188 = tpu.memref_slice %arg4[%multiple_of3A_184, %dma_start3A_187] : memref<204800x128xf32, #tpu.memory_space<hbm>> -> memref<64x128xf32, #tpu.memory_space<hbm>>
      tpu.enqueue_dma source(%arg10 : memref<64x128xf32, #tpu.memory_space<vmem>>) target(%dma_start3A_188 : memref<64x128xf32, #tpu.memory_space<hbm>>) target_semaphore(%arg30 : memref<!tpu.dma_semaphore, #tpu.memory_space<semaphore_mem>>)
      %dma_wait3A_189 = arith.constant 0 : i32
      %dma_wait3A_190 = arith.constant 0 : i32
      %dma_wait3A_191 = tpu.memref_slice %arg3[%dma_wait3A_189, %dma_wait3A_190] : memref<100000x128xf32, #tpu.memory_space<hbm>> -> memref<64x128xf32, #tpu.memory_space<hbm>>
      %dma_wait3A_192 = arith.constant 0 : i32
      %dma_wait3A_193 = arith.constant 0 : i32
      %dma_wait3A_194 = tpu.memref_slice %arg3[%dma_wait3A_192, %dma_wait3A_193] : memref<100000x128xf32, #tpu.memory_space<hbm>> -> memref<64x128xf32, #tpu.memory_space<hbm>>
      tpu.wait_dma2 semaphore(%arg21 : memref<!tpu.dma_semaphore, #tpu.memory_space<semaphore_mem>>) src(%dma_wait3A_194 : memref<64x128xf32, #tpu.memory_space<hbm>>) dst(%arg11 : memref<64x128xf32, #tpu.memory_space<vmem>>)
      %add3A_195 = arith.constant 5 : i32
      %add3A_196 = arith.addi %mul3A_108, %add3A_195 : i32
      %mul3A_197 = arith.constant 64 : i32
      %mul3A_198 = arith.muli %add3A_196, %mul3A_197 : i32
      %add3A_199 = arith.addi %multiple_of3A, %mul3A_198 : i32
      %multiple_of3A_200 = tpu.assume_multiple %add3A_199, 64 : i32
      %dma_start3A_201 = arith.constant 0 : i32
      %dma_start3A_202 = tpu.memref_slice %arg4[%multiple_of3A_200, %dma_start3A_201] : memref<204800x128xf32, #tpu.memory_space<hbm>> -> memref<64x128xf32, #tpu.memory_space<hbm>>
      %dma_start3A_203 = arith.constant 0 : i32
      %dma_start3A_204 = tpu.memref_slice %arg4[%multiple_of3A_200, %dma_start3A_203] : memref<204800x128xf32, #tpu.memory_space<hbm>> -> memref<64x128xf32, #tpu.memory_space<hbm>>
      tpu.enqueue_dma source(%arg11 : memref<64x128xf32, #tpu.memory_space<vmem>>) target(%dma_start3A_204 : memref<64x128xf32, #tpu.memory_space<hbm>>) target_semaphore(%arg31 : memref<!tpu.dma_semaphore, #tpu.memory_space<semaphore_mem>>)
      %dma_wait3A_205 = arith.constant 0 : i32
      %dma_wait3A_206 = arith.constant 0 : i32
      %dma_wait3A_207 = tpu.memref_slice %arg3[%dma_wait3A_205, %dma_wait3A_206] : memref<100000x128xf32, #tpu.memory_space<hbm>> -> memref<64x128xf32, #tpu.memory_space<hbm>>
      %dma_wait3A_208 = arith.constant 0 : i32
      %dma_wait3A_209 = arith.constant 0 : i32
      %dma_wait3A_210 = tpu.memref_slice %arg3[%dma_wait3A_208, %dma_wait3A_209] : memref<100000x128xf32, #tpu.memory_space<hbm>> -> memref<64x128xf32, #tpu.memory_space<hbm>>
      tpu.wait_dma2 semaphore(%arg22 : memref<!tpu.dma_semaphore, #tpu.memory_space<semaphore_mem>>) src(%dma_wait3A_210 : memref<64x128xf32, #tpu.memory_space<hbm>>) dst(%arg12 : memref<64x128xf32, #tpu.memory_space<vmem>>)
      %add3A_211 = arith.constant 6 : i32
      %add3A_212 = arith.addi %mul3A_108, %add3A_211 : i32
      %mul3A_213 = arith.constant 64 : i32
      %mul3A_214 = arith.muli %add3A_212, %mul3A_213 : i32
      %add3A_215 = arith.addi %multiple_of3A, %mul3A_214 : i32
      %multiple_of3A_216 = tpu.assume_multiple %add3A_215, 64 : i32
      %dma_start3A_217 = arith.constant 0 : i32
      %dma_start3A_218 = tpu.memref_slice %arg4[%multiple_of3A_216, %dma_start3A_217] : memref<204800x128xf32, #tpu.memory_space<hbm>> -> memref<64x128xf32, #tpu.memory_space<hbm>>
      %dma_start3A_219 = arith.constant 0 : i32
      %dma_start3A_220 = tpu.memref_slice %arg4[%multiple_of3A_216, %dma_start3A_219] : memref<204800x128xf32, #tpu.memory_space<hbm>> -> memref<64x128xf32, #tpu.memory_space<hbm>>
      tpu.enqueue_dma source(%arg12 : memref<64x128xf32, #tpu.memory_space<vmem>>) target(%dma_start3A_220 : memref<64x128xf32, #tpu.memory_space<hbm>>) target_semaphore(%arg32 : memref<!tpu.dma_semaphore, #tpu.memory_space<semaphore_mem>>)
      %dma_wait3A_221 = arith.constant 0 : i32
      %dma_wait3A_222 = arith.constant 0 : i32
      %dma_wait3A_223 = tpu.memref_slice %arg3[%dma_wait3A_221, %dma_wait3A_222] : memref<100000x128xf32, #tpu.memory_space<hbm>> -> memref<64x128xf32, #tpu.memory_space<hbm>>
      %dma_wait3A_224 = arith.constant 0 : i32
      %dma_wait3A_225 = arith.constant 0 : i32
      %dma_wait3A_226 = tpu.memref_slice %arg3[%dma_wait3A_224, %dma_wait3A_225] : memref<100000x128xf32, #tpu.memory_space<hbm>> -> memref<64x128xf32, #tpu.memory_space<hbm>>
      tpu.wait_dma2 semaphore(%arg23 : memref<!tpu.dma_semaphore, #tpu.memory_space<semaphore_mem>>) src(%dma_wait3A_226 : memref<64x128xf32, #tpu.memory_space<hbm>>) dst(%arg13 : memref<64x128xf32, #tpu.memory_space<vmem>>)
      %add3A_227 = arith.constant 7 : i32
      %add3A_228 = arith.addi %mul3A_108, %add3A_227 : i32
      %mul3A_229 = arith.constant 64 : i32
      %mul3A_230 = arith.muli %add3A_228, %mul3A_229 : i32
      %add3A_231 = arith.addi %multiple_of3A, %mul3A_230 : i32
      %multiple_of3A_232 = tpu.assume_multiple %add3A_231, 64 : i32
      %dma_start3A_233 = arith.constant 0 : i32
      %dma_start3A_234 = tpu.memref_slice %arg4[%multiple_of3A_232, %dma_start3A_233] : memref<204800x128xf32, #tpu.memory_space<hbm>> -> memref<64x128xf32, #tpu.memory_space<hbm>>
      %dma_start3A_235 = arith.constant 0 : i32
      %dma_start3A_236 = tpu.memref_slice %arg4[%multiple_of3A_232, %dma_start3A_235] : memref<204800x128xf32, #tpu.memory_space<hbm>> -> memref<64x128xf32, #tpu.memory_space<hbm>>
      tpu.enqueue_dma source(%arg13 : memref<64x128xf32, #tpu.memory_space<vmem>>) target(%dma_start3A_236 : memref<64x128xf32, #tpu.memory_space<hbm>>) target_semaphore(%arg33 : memref<!tpu.dma_semaphore, #tpu.memory_space<semaphore_mem>>)
      %dma_wait3A_237 = arith.constant 0 : i32
      %dma_wait3A_238 = arith.constant 0 : i32
      %dma_wait3A_239 = tpu.memref_slice %arg3[%dma_wait3A_237, %dma_wait3A_238] : memref<100000x128xf32, #tpu.memory_space<hbm>> -> memref<64x128xf32, #tpu.memory_space<hbm>>
      %dma_wait3A_240 = arith.constant 0 : i32
      %dma_wait3A_241 = arith.constant 0 : i32
      %dma_wait3A_242 = tpu.memref_slice %arg3[%dma_wait3A_240, %dma_wait3A_241] : memref<100000x128xf32, #tpu.memory_space<hbm>> -> memref<64x128xf32, #tpu.memory_space<hbm>>
      tpu.wait_dma2 semaphore(%arg24 : memref<!tpu.dma_semaphore, #tpu.memory_space<semaphore_mem>>) src(%dma_wait3A_242 : memref<64x128xf32, #tpu.memory_space<hbm>>) dst(%arg14 : memref<64x128xf32, #tpu.memory_space<vmem>>)
      %add3A_243 = arith.constant 8 : i32
      %add3A_244 = arith.addi %mul3A_108, %add3A_243 : i32
      %mul3A_245 = arith.constant 64 : i32
      %mul3A_246 = arith.muli %add3A_244, %mul3A_245 : i32
      %add3A_247 = arith.addi %multiple_of3A, %mul3A_246 : i32
      %multiple_of3A_248 = tpu.assume_multiple %add3A_247, 64 : i32
      %dma_start3A_249 = arith.constant 0 : i32
      %dma_start3A_250 = tpu.memref_slice %arg4[%multiple_of3A_248, %dma_start3A_249] : memref<204800x128xf32, #tpu.memory_space<hbm>> -> memref<64x128xf32, #tpu.memory_space<hbm>>
      %dma_start3A_251 = arith.constant 0 : i32
      %dma_start3A_252 = tpu.memref_slice %arg4[%multiple_of3A_248, %dma_start3A_251] : memref<204800x128xf32, #tpu.memory_space<hbm>> -> memref<64x128xf32, #tpu.memory_space<hbm>>
      tpu.enqueue_dma source(%arg14 : memref<64x128xf32, #tpu.memory_space<vmem>>) target(%dma_start3A_252 : memref<64x128xf32, #tpu.memory_space<hbm>>) target_semaphore(%arg34 : memref<!tpu.dma_semaphore, #tpu.memory_space<semaphore_mem>>)
      %dma_wait3A_253 = arith.constant 0 : i32
      %dma_wait3A_254 = arith.constant 0 : i32
      %dma_wait3A_255 = tpu.memref_slice %arg3[%dma_wait3A_253, %dma_wait3A_254] : memref<100000x128xf32, #tpu.memory_space<hbm>> -> memref<64x128xf32, #tpu.memory_space<hbm>>
      %dma_wait3A_256 = arith.constant 0 : i32
      %dma_wait3A_257 = arith.constant 0 : i32
      %dma_wait3A_258 = tpu.memref_slice %arg3[%dma_wait3A_256, %dma_wait3A_257] : memref<100000x128xf32, #tpu.memory_space<hbm>> -> memref<64x128xf32, #tpu.memory_space<hbm>>
      tpu.wait_dma2 semaphore(%arg25 : memref<!tpu.dma_semaphore, #tpu.memory_space<semaphore_mem>>) src(%dma_wait3A_258 : memref<64x128xf32, #tpu.memory_space<hbm>>) dst(%arg15 : memref<64x128xf32, #tpu.memory_space<vmem>>)
      %add3A_259 = arith.constant 9 : i32
      %add3A_260 = arith.addi %mul3A_108, %add3A_259 : i32
      %mul3A_261 = arith.constant 64 : i32
      %mul3A_262 = arith.muli %add3A_260, %mul3A_261 : i32
      %add3A_263 = arith.addi %multiple_of3A, %mul3A_262 : i32
      %multiple_of3A_264 = tpu.assume_multiple %add3A_263, 64 : i32
      %dma_start3A_265 = arith.constant 0 : i32
      %dma_start3A_266 = tpu.memref_slice %arg4[%multiple_of3A_264, %dma_start3A_265] : memref<204800x128xf32, #tpu.memory_space<hbm>> -> memref<64x128xf32, #tpu.memory_space<hbm>>
      %dma_start3A_267 = arith.constant 0 : i32
      %dma_start3A_268 = tpu.memref_slice %arg4[%multiple_of3A_264, %dma_start3A_267] : memref<204800x128xf32, #tpu.memory_space<hbm>> -> memref<64x128xf32, #tpu.memory_space<hbm>>
      tpu.enqueue_dma source(%arg15 : memref<64x128xf32, #tpu.memory_space<vmem>>) target(%dma_start3A_268 : memref<64x128xf32, #tpu.memory_space<hbm>>) target_semaphore(%arg35 : memref<!tpu.dma_semaphore, #tpu.memory_space<semaphore_mem>>)
      %lt3A = arith.constant 9 : i32
      %lt3A_269 = arith.cmpi slt, %scan3A_106, %lt3A : i32
      %convert_element_type3A = arith.extui %lt3A_269 : i1 to i32
      %cond3A = arith.constant 0 : i32
      %cond3A_270 = arith.cmpi ne, %convert_element_type3A, %cond3A : i32
      scf.if %cond3A_270 {
        %dma_wait3A_271 = arith.constant 0 : i32
        %dma_wait3A_272 = tpu.memref_slice %arg4[%multiple_of3A, %dma_wait3A_271] : memref<204800x128xf32, #tpu.memory_space<hbm>> -> memref<64x128xf32, #tpu.memory_space<hbm>>
        %dma_wait3A_273 = arith.constant 0 : i32
        %dma_wait3A_274 = tpu.memref_slice %arg4[%multiple_of3A, %dma_wait3A_273] : memref<204800x128xf32, #tpu.memory_space<hbm>> -> memref<64x128xf32, #tpu.memory_space<hbm>>
        tpu.wait_dma2 semaphore(%arg26 : memref<!tpu.dma_semaphore, #tpu.memory_space<semaphore_mem>>) src(%arg6 : memref<64x128xf32, #tpu.memory_space<vmem>>) dst(%dma_wait3A_274 : memref<64x128xf32, #tpu.memory_space<hbm>>)
        %add3A_275 = arith.constant 10 : i32
        %add3A_276 = arith.addi %mul3A_108, %add3A_275 : i32
        %add3A_277 = arith.constant 0 : i32
        %add3A_278 = arith.addi %add3A_276, %add3A_277 : i32
        %mul3A_279 = arith.constant 64 : i32
        %mul3A_280 = arith.muli %add3A_278, %mul3A_279 : i32
        %multiple_of3A_281 = tpu.assume_multiple %mul3A_280, 64 : i32
        %dma_start3A_282 = tpu.memref_slice %arg5[%multiple_of3A_281] : memref<6400xi32, #tpu.memory_space<vmem>> -> memref<64xi32, #tpu.memory_space<vmem>>
        %dma_start3A_283 = arith.constant 0 : i32
        %dma_start3A_284 = arith.constant 0 : i32
        %dma_start3A_285 = tpu.memref_slice %arg3[%dma_start3A_283, %dma_start3A_284] : memref<100000x128xf32, #tpu.memory_space<hbm>> -> memref<100000x128xf32, #tpu.memory_space<hbm>>
        tpu.enqueue_indirect_dma source(%dma_start3A_285 : memref<100000x128xf32, #tpu.memory_space<hbm>>) target(%arg6 : memref<64x128xf32, #tpu.memory_space<vmem>>) offsets(%dma_start3A_282 : memref<64xi32, #tpu.memory_space<vmem>>) semaphore(%arg16 : memref<!tpu.dma_semaphore, #tpu.memory_space<semaphore_mem>>)
        %dma_wait3A_286 = arith.constant 0 : i32
        %dma_wait3A_287 = tpu.memref_slice %arg4[%multiple_of3A, %dma_wait3A_286] : memref<204800x128xf32, #tpu.memory_space<hbm>> -> memref<64x128xf32, #tpu.memory_space<hbm>>
        %dma_wait3A_288 = arith.constant 0 : i32
        %dma_wait3A_289 = tpu.memref_slice %arg4[%multiple_of3A, %dma_wait3A_288] : memref<204800x128xf32, #tpu.memory_space<hbm>> -> memref<64x128xf32, #tpu.memory_space<hbm>>
        tpu.wait_dma2 semaphore(%arg27 : memref<!tpu.dma_semaphore, #tpu.memory_space<semaphore_mem>>) src(%arg7 : memref<64x128xf32, #tpu.memory_space<vmem>>) dst(%dma_wait3A_289 : memref<64x128xf32, #tpu.memory_space<hbm>>)
        %add3A_290 = arith.constant 10 : i32
        %add3A_291 = arith.addi %mul3A_108, %add3A_290 : i32
        %add3A_292 = arith.constant 1 : i32
        %add3A_293 = arith.addi %add3A_291, %add3A_292 : i32
        %mul3A_294 = arith.constant 64 : i32
        %mul3A_295 = arith.muli %add3A_293, %mul3A_294 : i32
        %multiple_of3A_296 = tpu.assume_multiple %mul3A_295, 64 : i32
        %dma_start3A_297 = tpu.memref_slice %arg5[%multiple_of3A_296] : memref<6400xi32, #tpu.memory_space<vmem>> -> memref<64xi32, #tpu.memory_space<vmem>>
        %dma_start3A_298 = arith.constant 0 : i32
        %dma_start3A_299 = arith.constant 0 : i32
        %dma_start3A_300 = tpu.memref_slice %arg3[%dma_start3A_298, %dma_start3A_299] : memref<100000x128xf32, #tpu.memory_space<hbm>> -> memref<100000x128xf32, #tpu.memory_space<hbm>>
        tpu.enqueue_indirect_dma source(%dma_start3A_300 : memref<100000x128xf32, #tpu.memory_space<hbm>>) target(%arg7 : memref<64x128xf32, #tpu.memory_space<vmem>>) offsets(%dma_start3A_297 : memref<64xi32, #tpu.memory_space<vmem>>) semaphore(%arg17 : memref<!tpu.dma_semaphore, #tpu.memory_space<semaphore_mem>>)
        %dma_wait3A_301 = arith.constant 0 : i32
        %dma_wait3A_302 = tpu.memref_slice %arg4[%multiple_of3A, %dma_wait3A_301] : memref<204800x128xf32, #tpu.memory_space<hbm>> -> memref<64x128xf32, #tpu.memory_space<hbm>>
        %dma_wait3A_303 = arith.constant 0 : i32
        %dma_wait3A_304 = tpu.memref_slice %arg4[%multiple_of3A, %dma_wait3A_303] : memref<204800x128xf32, #tpu.memory_space<hbm>> -> memref<64x128xf32, #tpu.memory_space<hbm>>
        tpu.wait_dma2 semaphore(%arg28 : memref<!tpu.dma_semaphore, #tpu.memory_space<semaphore_mem>>) src(%arg8 : memref<64x128xf32, #tpu.memory_space<vmem>>) dst(%dma_wait3A_304 : memref<64x128xf32, #tpu.memory_space<hbm>>)
        %add3A_305 = arith.constant 10 : i32
        %add3A_306 = arith.addi %mul3A_108, %add3A_305 : i32
        %add3A_307 = arith.constant 2 : i32
        %add3A_308 = arith.addi %add3A_306, %add3A_307 : i32
        %mul3A_309 = arith.constant 64 : i32
        %mul3A_310 = arith.muli %add3A_308, %mul3A_309 : i32
        %multiple_of3A_311 = tpu.assume_multiple %mul3A_310, 64 : i32
        %dma_start3A_312 = tpu.memref_slice %arg5[%multiple_of3A_311] : memref<6400xi32, #tpu.memory_space<vmem>> -> memref<64xi32, #tpu.memory_space<vmem>>
        %dma_start3A_313 = arith.constant 0 : i32
        %dma_start3A_314 = arith.constant 0 : i32
        %dma_start3A_315 = tpu.memref_slice %arg3[%dma_start3A_313, %dma_start3A_314] : memref<100000x128xf32, #tpu.memory_space<hbm>> -> memref<100000x128xf32, #tpu.memory_space<hbm>>
        tpu.enqueue_indirect_dma source(%dma_start3A_315 : memref<100000x128xf32, #tpu.memory_space<hbm>>) target(%arg8 : memref<64x128xf32, #tpu.memory_space<vmem>>) offsets(%dma_start3A_312 : memref<64xi32, #tpu.memory_space<vmem>>) semaphore(%arg18 : memref<!tpu.dma_semaphore, #tpu.memory_space<semaphore_mem>>)
        %dma_wait3A_316 = arith.constant 0 : i32
        %dma_wait3A_317 = tpu.memref_slice %arg4[%multiple_of3A, %dma_wait3A_316] : memref<204800x128xf32, #tpu.memory_space<hbm>> -> memref<64x128xf32, #tpu.memory_space<hbm>>
        %dma_wait3A_318 = arith.constant 0 : i32
        %dma_wait3A_319 = tpu.memref_slice %arg4[%multiple_of3A, %dma_wait3A_318] : memref<204800x128xf32, #tpu.memory_space<hbm>> -> memref<64x128xf32, #tpu.memory_space<hbm>>
        tpu.wait_dma2 semaphore(%arg29 : memref<!tpu.dma_semaphore, #tpu.memory_space<semaphore_mem>>) src(%arg9 : memref<64x128xf32, #tpu.memory_space<vmem>>) dst(%dma_wait3A_319 : memref<64x128xf32, #tpu.memory_space<hbm>>)
        %add3A_320 = arith.constant 10 : i32
        %add3A_321 = arith.addi %mul3A_108, %add3A_320 : i32
        %add3A_322 = arith.constant 3 : i32
        %add3A_323 = arith.addi %add3A_321, %add3A_322 : i32
        %mul3A_324 = arith.constant 64 : i32
        %mul3A_325 = arith.muli %add3A_323, %mul3A_324 : i32
        %multiple_of3A_326 = tpu.assume_multiple %mul3A_325, 64 : i32
        %dma_start3A_327 = tpu.memref_slice %arg5[%multiple_of3A_326] : memref<6400xi32, #tpu.memory_space<vmem>> -> memref<64xi32, #tpu.memory_space<vmem>>
        %dma_start3A_328 = arith.constant 0 : i32
        %dma_start3A_329 = arith.constant 0 : i32
        %dma_start3A_330 = tpu.memref_slice %arg3[%dma_start3A_328, %dma_start3A_329] : memref<100000x128xf32, #tpu.memory_space<hbm>> -> memref<100000x128xf32, #tpu.memory_space<hbm>>
        tpu.enqueue_indirect_dma source(%dma_start3A_330 : memref<100000x128xf32, #tpu.memory_space<hbm>>) target(%arg9 : memref<64x128xf32, #tpu.memory_space<vmem>>) offsets(%dma_start3A_327 : memref<64xi32, #tpu.memory_space<vmem>>) semaphore(%arg19 : memref<!tpu.dma_semaphore, #tpu.memory_space<semaphore_mem>>)
        %dma_wait3A_331 = arith.constant 0 : i32
        %dma_wait3A_332 = tpu.memref_slice %arg4[%multiple_of3A, %dma_wait3A_331] : memref<204800x128xf32, #tpu.memory_space<hbm>> -> memref<64x128xf32, #tpu.memory_space<hbm>>
        %dma_wait3A_333 = arith.constant 0 : i32
        %dma_wait3A_334 = tpu.memref_slice %arg4[%multiple_of3A, %dma_wait3A_333] : memref<204800x128xf32, #tpu.memory_space<hbm>> -> memref<64x128xf32, #tpu.memory_space<hbm>>
        tpu.wait_dma2 semaphore(%arg30 : memref<!tpu.dma_semaphore, #tpu.memory_space<semaphore_mem>>) src(%arg10 : memref<64x128xf32, #tpu.memory_space<vmem>>) dst(%dma_wait3A_334 : memref<64x128xf32, #tpu.memory_space<hbm>>)
        %add3A_335 = arith.constant 10 : i32
        %add3A_336 = arith.addi %mul3A_108, %add3A_335 : i32
        %add3A_337 = arith.constant 4 : i32
        %add3A_338 = arith.addi %add3A_336, %add3A_337 : i32
        %mul3A_339 = arith.constant 64 : i32
        %mul3A_340 = arith.muli %add3A_338, %mul3A_339 : i32
        %multiple_of3A_341 = tpu.assume_multiple %mul3A_340, 64 : i32
        %dma_start3A_342 = tpu.memref_slice %arg5[%multiple_of3A_341] : memref<6400xi32, #tpu.memory_space<vmem>> -> memref<64xi32, #tpu.memory_space<vmem>>
        %dma_start3A_343 = arith.constant 0 : i32
        %dma_start3A_344 = arith.constant 0 : i32
        %dma_start3A_345 = tpu.memref_slice %arg3[%dma_start3A_343, %dma_start3A_344] : memref<100000x128xf32, #tpu.memory_space<hbm>> -> memref<100000x128xf32, #tpu.memory_space<hbm>>
        tpu.enqueue_indirect_dma source(%dma_start3A_345 : memref<100000x128xf32, #tpu.memory_space<hbm>>) target(%arg10 : memref<64x128xf32, #tpu.memory_space<vmem>>) offsets(%dma_start3A_342 : memref<64xi32, #tpu.memory_space<vmem>>) semaphore(%arg20 : memref<!tpu.dma_semaphore, #tpu.memory_space<semaphore_mem>>)
        %dma_wait3A_346 = arith.constant 0 : i32
        %dma_wait3A_347 = tpu.memref_slice %arg4[%multiple_of3A, %dma_wait3A_346] : memref<204800x128xf32, #tpu.memory_space<hbm>> -> memref<64x128xf32, #tpu.memory_space<hbm>>
        %dma_wait3A_348 = arith.constant 0 : i32
        %dma_wait3A_349 = tpu.memref_slice %arg4[%multiple_of3A, %dma_wait3A_348] : memref<204800x128xf32, #tpu.memory_space<hbm>> -> memref<64x128xf32, #tpu.memory_space<hbm>>
        tpu.wait_dma2 semaphore(%arg31 : memref<!tpu.dma_semaphore, #tpu.memory_space<semaphore_mem>>) src(%arg11 : memref<64x128xf32, #tpu.memory_space<vmem>>) dst(%dma_wait3A_349 : memref<64x128xf32, #tpu.memory_space<hbm>>)
        %add3A_350 = arith.constant 10 : i32
        %add3A_351 = arith.addi %mul3A_108, %add3A_350 : i32
        %add3A_352 = arith.constant 5 : i32
        %add3A_353 = arith.addi %add3A_351, %add3A_352 : i32
        %mul3A_354 = arith.constant 64 : i32
        %mul3A_355 = arith.muli %add3A_353, %mul3A_354 : i32
        %multiple_of3A_356 = tpu.assume_multiple %mul3A_355, 64 : i32
        %dma_start3A_357 = tpu.memref_slice %arg5[%multiple_of3A_356] : memref<6400xi32, #tpu.memory_space<vmem>> -> memref<64xi32, #tpu.memory_space<vmem>>
        %dma_start3A_358 = arith.constant 0 : i32
        %dma_start3A_359 = arith.constant 0 : i32
        %dma_start3A_360 = tpu.memref_slice %arg3[%dma_start3A_358, %dma_start3A_359] : memref<100000x128xf32, #tpu.memory_space<hbm>> -> memref<100000x128xf32, #tpu.memory_space<hbm>>
        tpu.enqueue_indirect_dma source(%dma_start3A_360 : memref<100000x128xf32, #tpu.memory_space<hbm>>) target(%arg11 : memref<64x128xf32, #tpu.memory_space<vmem>>) offsets(%dma_start3A_357 : memref<64xi32, #tpu.memory_space<vmem>>) semaphore(%arg21 : memref<!tpu.dma_semaphore, #tpu.memory_space<semaphore_mem>>)
        %dma_wait3A_361 = arith.constant 0 : i32
        %dma_wait3A_362 = tpu.memref_slice %arg4[%multiple_of3A, %dma_wait3A_361] : memref<204800x128xf32, #tpu.memory_space<hbm>> -> memref<64x128xf32, #tpu.memory_space<hbm>>
        %dma_wait3A_363 = arith.constant 0 : i32
        %dma_wait3A_364 = tpu.memref_slice %arg4[%multiple_of3A, %dma_wait3A_363] : memref<204800x128xf32, #tpu.memory_space<hbm>> -> memref<64x128xf32, #tpu.memory_space<hbm>>
        tpu.wait_dma2 semaphore(%arg32 : memref<!tpu.dma_semaphore, #tpu.memory_space<semaphore_mem>>) src(%arg12 : memref<64x128xf32, #tpu.memory_space<vmem>>) dst(%dma_wait3A_364 : memref<64x128xf32, #tpu.memory_space<hbm>>)
        %add3A_365 = arith.constant 10 : i32
        %add3A_366 = arith.addi %mul3A_108, %add3A_365 : i32
        %add3A_367 = arith.constant 6 : i32
        %add3A_368 = arith.addi %add3A_366, %add3A_367 : i32
        %mul3A_369 = arith.constant 64 : i32
        %mul3A_370 = arith.muli %add3A_368, %mul3A_369 : i32
        %multiple_of3A_371 = tpu.assume_multiple %mul3A_370, 64 : i32
        %dma_start3A_372 = tpu.memref_slice %arg5[%multiple_of3A_371] : memref<6400xi32, #tpu.memory_space<vmem>> -> memref<64xi32, #tpu.memory_space<vmem>>
        %dma_start3A_373 = arith.constant 0 : i32
        %dma_start3A_374 = arith.constant 0 : i32
        %dma_start3A_375 = tpu.memref_slice %arg3[%dma_start3A_373, %dma_start3A_374] : memref<100000x128xf32, #tpu.memory_space<hbm>> -> memref<100000x128xf32, #tpu.memory_space<hbm>>
        tpu.enqueue_indirect_dma source(%dma_start3A_375 : memref<100000x128xf32, #tpu.memory_space<hbm>>) target(%arg12 : memref<64x128xf32, #tpu.memory_space<vmem>>) offsets(%dma_start3A_372 : memref<64xi32, #tpu.memory_space<vmem>>) semaphore(%arg22 : memref<!tpu.dma_semaphore, #tpu.memory_space<semaphore_mem>>)
        %dma_wait3A_376 = arith.constant 0 : i32
        %dma_wait3A_377 = tpu.memref_slice %arg4[%multiple_of3A, %dma_wait3A_376] : memref<204800x128xf32, #tpu.memory_space<hbm>> -> memref<64x128xf32, #tpu.memory_space<hbm>>
        %dma_wait3A_378 = arith.constant 0 : i32
        %dma_wait3A_379 = tpu.memref_slice %arg4[%multiple_of3A, %dma_wait3A_378] : memref<204800x128xf32, #tpu.memory_space<hbm>> -> memref<64x128xf32, #tpu.memory_space<hbm>>
        tpu.wait_dma2 semaphore(%arg33 : memref<!tpu.dma_semaphore, #tpu.memory_space<semaphore_mem>>) src(%arg13 : memref<64x128xf32, #tpu.memory_space<vmem>>) dst(%dma_wait3A_379 : memref<64x128xf32, #tpu.memory_space<hbm>>)
        %add3A_380 = arith.constant 10 : i32
        %add3A_381 = arith.addi %mul3A_108, %add3A_380 : i32
        %add3A_382 = arith.constant 7 : i32
        %add3A_383 = arith.addi %add3A_381, %add3A_382 : i32
        %mul3A_384 = arith.constant 64 : i32
        %mul3A_385 = arith.muli %add3A_383, %mul3A_384 : i32
        %multiple_of3A_386 = tpu.assume_multiple %mul3A_385, 64 : i32
        %dma_start3A_387 = tpu.memref_slice %arg5[%multiple_of3A_386] : memref<6400xi32, #tpu.memory_space<vmem>> -> memref<64xi32, #tpu.memory_space<vmem>>
        %dma_start3A_388 = arith.constant 0 : i32
        %dma_start3A_389 = arith.constant 0 : i32
        %dma_start3A_390 = tpu.memref_slice %arg3[%dma_start3A_388, %dma_start3A_389] : memref<100000x128xf32, #tpu.memory_space<hbm>> -> memref<100000x128xf32, #tpu.memory_space<hbm>>
        tpu.enqueue_indirect_dma source(%dma_start3A_390 : memref<100000x128xf32, #tpu.memory_space<hbm>>) target(%arg13 : memref<64x128xf32, #tpu.memory_space<vmem>>) offsets(%dma_start3A_387 : memref<64xi32, #tpu.memory_space<vmem>>) semaphore(%arg23 : memref<!tpu.dma_semaphore, #tpu.memory_space<semaphore_mem>>)
        %dma_wait3A_391 = arith.constant 0 : i32
        %dma_wait3A_392 = tpu.memref_slice %arg4[%multiple_of3A, %dma_wait3A_391] : memref<204800x128xf32, #tpu.memory_space<hbm>> -> memref<64x128xf32, #tpu.memory_space<hbm>>
        %dma_wait3A_393 = arith.constant 0 : i32
        %dma_wait3A_394 = tpu.memref_slice %arg4[%multiple_of3A, %dma_wait3A_393] : memref<204800x128xf32, #tpu.memory_space<hbm>> -> memref<64x128xf32, #tpu.memory_space<hbm>>
        tpu.wait_dma2 semaphore(%arg34 : memref<!tpu.dma_semaphore, #tpu.memory_space<semaphore_mem>>) src(%arg14 : memref<64x128xf32, #tpu.memory_space<vmem>>) dst(%dma_wait3A_394 : memref<64x128xf32, #tpu.memory_space<hbm>>)
        %add3A_395 = arith.constant 10 : i32
        %add3A_396 = arith.addi %mul3A_108, %add3A_395 : i32
        %add3A_397 = arith.constant 8 : i32
        %add3A_398 = arith.addi %add3A_396, %add3A_397 : i32
        %mul3A_399 = arith.constant 64 : i32
        %mul3A_400 = arith.muli %add3A_398, %mul3A_399 : i32
        %multiple_of3A_401 = tpu.assume_multiple %mul3A_400, 64 : i32
        %dma_start3A_402 = tpu.memref_slice %arg5[%multiple_of3A_401] : memref<6400xi32, #tpu.memory_space<vmem>> -> memref<64xi32, #tpu.memory_space<vmem>>
        %dma_start3A_403 = arith.constant 0 : i32
        %dma_start3A_404 = arith.constant 0 : i32
        %dma_start3A_405 = tpu.memref_slice %arg3[%dma_start3A_403, %dma_start3A_404] : memref<100000x128xf32, #tpu.memory_space<hbm>> -> memref<100000x128xf32, #tpu.memory_space<hbm>>
        tpu.enqueue_indirect_dma source(%dma_start3A_405 : memref<100000x128xf32, #tpu.memory_space<hbm>>) target(%arg14 : memref<64x128xf32, #tpu.memory_space<vmem>>) offsets(%dma_start3A_402 : memref<64xi32, #tpu.memory_space<vmem>>) semaphore(%arg24 : memref<!tpu.dma_semaphore, #tpu.memory_space<semaphore_mem>>)
        %dma_wait3A_406 = arith.constant 0 : i32
        %dma_wait3A_407 = tpu.memref_slice %arg4[%multiple_of3A, %dma_wait3A_406] : memref<204800x128xf32, #tpu.memory_space<hbm>> -> memref<64x128xf32, #tpu.memory_space<hbm>>
        %dma_wait3A_408 = arith.constant 0 : i32
        %dma_wait3A_409 = tpu.memref_slice %arg4[%multiple_of3A, %dma_wait3A_408] : memref<204800x128xf32, #tpu.memory_space<hbm>> -> memref<64x128xf32, #tpu.memory_space<hbm>>
        tpu.wait_dma2 semaphore(%arg35 : memref<!tpu.dma_semaphore, #tpu.memory_space<semaphore_mem>>) src(%arg15 : memref<64x128xf32, #tpu.memory_space<vmem>>) dst(%dma_wait3A_409 : memref<64x128xf32, #tpu.memory_space<hbm>>)
        %add3A_410 = arith.constant 10 : i32
        %add3A_411 = arith.addi %mul3A_108, %add3A_410 : i32
        %add3A_412 = arith.constant 9 : i32
        %add3A_413 = arith.addi %add3A_411, %add3A_412 : i32
        %mul3A_414 = arith.constant 64 : i32
        %mul3A_415 = arith.muli %add3A_413, %mul3A_414 : i32
        %multiple_of3A_416 = tpu.assume_multiple %mul3A_415, 64 : i32
        %dma_start3A_417 = tpu.memref_slice %arg5[%multiple_of3A_416] : memref<6400xi32, #tpu.memory_space<vmem>> -> memref<64xi32, #tpu.memory_space<vmem>>
        %dma_start3A_418 = arith.constant 0 : i32
        %dma_start3A_419 = arith.constant 0 : i32
        %dma_start3A_420 = tpu.memref_slice %arg3[%dma_start3A_418, %dma_start3A_419] : memref<100000x128xf32, #tpu.memory_space<hbm>> -> memref<100000x128xf32, #tpu.memory_space<hbm>>
        tpu.enqueue_indirect_dma source(%dma_start3A_420 : memref<100000x128xf32, #tpu.memory_space<hbm>>) target(%arg15 : memref<64x128xf32, #tpu.memory_space<vmem>>) offsets(%dma_start3A_417 : memref<64xi32, #tpu.memory_space<vmem>>) semaphore(%arg25 : memref<!tpu.dma_semaphore, #tpu.memory_space<semaphore_mem>>)
      } else {
      }
    }
    %scan3A_66 = arith.constant 10 : i32
    %dma_wait3A = arith.constant 0 : i32
    %dma_wait3A_67 = tpu.memref_slice %arg4[%multiple_of3A, %dma_wait3A] : memref<204800x128xf32, #tpu.memory_space<hbm>> -> memref<64x128xf32, #tpu.memory_space<hbm>>
    %dma_wait3A_68 = arith.constant 0 : i32
    %dma_wait3A_69 = tpu.memref_slice %arg4[%multiple_of3A, %dma_wait3A_68] : memref<204800x128xf32, #tpu.memory_space<hbm>> -> memref<64x128xf32, #tpu.memory_space<hbm>>
    tpu.wait_dma2 semaphore(%arg26 : memref<!tpu.dma_semaphore, #tpu.memory_space<semaphore_mem>>) src(%arg6 : memref<64x128xf32, #tpu.memory_space<vmem>>) dst(%dma_wait3A_69 : memref<64x128xf32, #tpu.memory_space<hbm>>)
    %dma_wait3A_70 = arith.constant 0 : i32
    %dma_wait3A_71 = tpu.memref_slice %arg4[%multiple_of3A, %dma_wait3A_70] : memref<204800x128xf32, #tpu.memory_space<hbm>> -> memref<64x128xf32, #tpu.memory_space<hbm>>
    %dma_wait3A_72 = arith.constant 0 : i32
    %dma_wait3A_73 = tpu.memref_slice %arg4[%multiple_of3A, %dma_wait3A_72] : memref<204800x128xf32, #tpu.memory_space<hbm>> -> memref<64x128xf32, #tpu.memory_space<hbm>>
    tpu.wait_dma2 semaphore(%arg27 : memref<!tpu.dma_semaphore, #tpu.memory_space<semaphore_mem>>) src(%arg7 : memref<64x128xf32, #tpu.memory_space<vmem>>) dst(%dma_wait3A_73 : memref<64x128xf32, #tpu.memory_space<hbm>>)
    %dma_wait3A_74 = arith.constant 0 : i32
    %dma_wait3A_75 = tpu.memref_slice %arg4[%multiple_of3A, %dma_wait3A_74] : memref<204800x128xf32, #tpu.memory_space<hbm>> -> memref<64x128xf32, #tpu.memory_space<hbm>>
    %dma_wait3A_76 = arith.constant 0 : i32
    %dma_wait3A_77 = tpu.memref_slice %arg4[%multiple_of3A, %dma_wait3A_76] : memref<204800x128xf32, #tpu.memory_space<hbm>> -> memref<64x128xf32, #tpu.memory_space<hbm>>
    tpu.wait_dma2 semaphore(%arg28 : memref<!tpu.dma_semaphore, #tpu.memory_space<semaphore_mem>>) src(%arg8 : memref<64x128xf32, #tpu.memory_space<vmem>>) dst(%dma_wait3A_77 : memref<64x128xf32, #tpu.memory_space<hbm>>)
    %dma_wait3A_78 = arith.constant 0 : i32
    %dma_wait3A_79 = tpu.memref_slice %arg4[%multiple_of3A, %dma_wait3A_78] : memref<204800x128xf32, #tpu.memory_space<hbm>> -> memref<64x128xf32, #tpu.memory_space<hbm>>
    %dma_wait3A_80 = arith.constant 0 : i32
    %dma_wait3A_81 = tpu.memref_slice %arg4[%multiple_of3A, %dma_wait3A_80] : memref<204800x128xf32, #tpu.memory_space<hbm>> -> memref<64x128xf32, #tpu.memory_space<hbm>>
    tpu.wait_dma2 semaphore(%arg29 : memref<!tpu.dma_semaphore, #tpu.memory_space<semaphore_mem>>) src(%arg9 : memref<64x128xf32, #tpu.memory_space<vmem>>) dst(%dma_wait3A_81 : memref<64x128xf32, #tpu.memory_space<hbm>>)
    %dma_wait3A_82 = arith.constant 0 : i32
    %dma_wait3A_83 = tpu.memref_slice %arg4[%multiple_of3A, %dma_wait3A_82] : memref<204800x128xf32, #tpu.memory_space<hbm>> -> memref<64x128xf32, #tpu.memory_space<hbm>>
    %dma_wait3A_84 = arith.constant 0 : i32
    %dma_wait3A_85 = tpu.memref_slice %arg4[%multiple_of3A, %dma_wait3A_84] : memref<204800x128xf32, #tpu.memory_space<hbm>> -> memref<64x128xf32, #tpu.memory_space<hbm>>
    tpu.wait_dma2 semaphore(%arg30 : memref<!tpu.dma_semaphore, #tpu.memory_space<semaphore_mem>>) src(%arg10 : memref<64x128xf32, #tpu.memory_space<vmem>>) dst(%dma_wait3A_85 : memref<64x128xf32, #tpu.memory_space<hbm>>)
    %dma_wait3A_86 = arith.constant 0 : i32
    %dma_wait3A_87 = tpu.memref_slice %arg4[%multiple_of3A, %dma_wait3A_86] : memref<204800x128xf32, #tpu.memory_space<hbm>> -> memref<64x128xf32, #tpu.memory_space<hbm>>
    %dma_wait3A_88 = arith.constant 0 : i32
    %dma_wait3A_89 = tpu.memref_slice %arg4[%multiple_of3A, %dma_wait3A_88] : memref<204800x128xf32, #tpu.memory_space<hbm>> -> memref<64x128xf32, #tpu.memory_space<hbm>>
    tpu.wait_dma2 semaphore(%arg31 : memref<!tpu.dma_semaphore, #tpu.memory_space<semaphore_mem>>) src(%arg11 : memref<64x128xf32, #tpu.memory_space<vmem>>) dst(%dma_wait3A_89 : memref<64x128xf32, #tpu.memory_space<hbm>>)
    %dma_wait3A_90 = arith.constant 0 : i32
    %dma_wait3A_91 = tpu.memref_slice %arg4[%multiple_of3A, %dma_wait3A_90] : memref<204800x128xf32, #tpu.memory_space<hbm>> -> memref<64x128xf32, #tpu.memory_space<hbm>>
    %dma_wait3A_92 = arith.constant 0 : i32
    %dma_wait3A_93 = tpu.memref_slice %arg4[%multiple_of3A, %dma_wait3A_92] : memref<204800x128xf32, #tpu.memory_space<hbm>> -> memref<64x128xf32, #tpu.memory_space<hbm>>
    tpu.wait_dma2 semaphore(%arg32 : memref<!tpu.dma_semaphore, #tpu.memory_space<semaphore_mem>>) src(%arg12 : memref<64x128xf32, #tpu.memory_space<vmem>>) dst(%dma_wait3A_93 : memref<64x128xf32, #tpu.memory_space<hbm>>)
    %dma_wait3A_94 = arith.constant 0 : i32
    %dma_wait3A_95 = tpu.memref_slice %arg4[%multiple_of3A, %dma_wait3A_94] : memref<204800x128xf32, #tpu.memory_space<hbm>> -> memref<64x128xf32, #tpu.memory_space<hbm>>
    %dma_wait3A_96 = arith.constant 0 : i32
    %dma_wait3A_97 = tpu.memref_slice %arg4[%multiple_of3A, %dma_wait3A_96] : memref<204800x128xf32, #tpu.memory_space<hbm>> -> memref<64x128xf32, #tpu.memory_space<hbm>>
    tpu.wait_dma2 semaphore(%arg33 : memref<!tpu.dma_semaphore, #tpu.memory_space<semaphore_mem>>) src(%arg13 : memref<64x128xf32, #tpu.memory_space<vmem>>) dst(%dma_wait3A_97 : memref<64x128xf32, #tpu.memory_space<hbm>>)
    %dma_wait3A_98 = arith.constant 0 : i32
    %dma_wait3A_99 = tpu.memref_slice %arg4[%multiple_of3A, %dma_wait3A_98] : memref<204800x128xf32, #tpu.memory_space<hbm>> -> memref<64x128xf32, #tpu.memory_space<hbm>>
    %dma_wait3A_100 = arith.constant 0 : i32
    %dma_wait3A_101 = tpu.memref_slice %arg4[%multiple_of3A, %dma_wait3A_100] : memref<204800x128xf32, #tpu.memory_space<hbm>> -> memref<64x128xf32, #tpu.memory_space<hbm>>
    tpu.wait_dma2 semaphore(%arg34 : memref<!tpu.dma_semaphore, #tpu.memory_space<semaphore_mem>>) src(%arg14 : memref<64x128xf32, #tpu.memory_space<vmem>>) dst(%dma_wait3A_101 : memref<64x128xf32, #tpu.memory_space<hbm>>)
    %dma_wait3A_102 = arith.constant 0 : i32
    %dma_wait3A_103 = tpu.memref_slice %arg4[%multiple_of3A, %dma_wait3A_102] : memref<204800x128xf32, #tpu.memory_space<hbm>> -> memref<64x128xf32, #tpu.memory_space<hbm>>
    %dma_wait3A_104 = arith.constant 0 : i32
    %dma_wait3A_105 = tpu.memref_slice %arg4[%multiple_of3A, %dma_wait3A_104] : memref<204800x128xf32, #tpu.memory_space<hbm>> -> memref<64x128xf32, #tpu.memory_space<hbm>>
    tpu.wait_dma2 semaphore(%arg35 : memref<!tpu.dma_semaphore, #tpu.memory_space<semaphore_mem>>) src(%arg15 : memref<64x128xf32, #tpu.memory_space<vmem>>) dst(%dma_wait3A_105 : memref<64x128xf32, #tpu.memory_space<hbm>>)
    return
  }
}

module attributes {stable_mosaic.version = 14 : i64} {
  func.func @_ln_table_body(%arg0: i32, %arg1: memref<10000x128xf32, #tpu.memory_space<vmem>>, %arg2: memref<128xf32, #tpu.memory_space<vmem>>, %arg3: memref<128xf32, #tpu.memory_space<vmem>>, %arg4: memref<10000x128xf32, #tpu.memory_space<vmem>>) attributes {dimension_semantics = [#tpu.dimension_semantics<arbitrary>], iteration_bounds = array<i64: 10>, scalar_prefetch = 0 : i64, scratch_operands = 0 : i64, tpu.core_type = #tpu.core_type<tc>, window_params = [{transform_indices = @transform_0, window_bounds = array<i64: 10000, 128>}, {pipeline_mode = #tpu.pipeline_mode<synchronous>, transform_indices = @transform_1, window_bounds = array<i64: 128>}, {pipeline_mode = #tpu.pipeline_mode<synchronous>, transform_indices = @transform_2, window_bounds = array<i64: 128>}, {transform_indices = @transform_3, window_bounds = array<i64: 10000, 128>}]} {
    %get3A = arith.constant 0 : index
    %get3A_0 = arith.constant 0 : index
    %get3A_1 = vector.load %arg1[%get3A, %get3A_0] : memref<10000x128xf32, #tpu.memory_space<vmem>>, vector<10000x128xf32>
    %reduce_sum3A = arith.constant dense<0.000000e+00> : vector<10000xf32>
    %reduce_sum3A_2 = vector.multi_reduction <add>, %get3A_1, %reduce_sum3A [1] : vector<10000x128xf32> to vector<10000xf32>
    %broadcast_in_dim3A = vector.shape_cast %reduce_sum3A_2 : vector<10000xf32> to vector<10000x1xf32>
    %div3A = arith.constant 1.280000e+02 : f32
    %div3A_3 = vector.broadcast %div3A : f32 to vector<10000x1xf32>
    %div3A_4 = arith.divf %broadcast_in_dim3A, %div3A_3 : vector<10000x1xf32>
    %sub3A = vector.broadcast %div3A_4 : vector<10000x1xf32> to vector<10000x128xf32>
    %sub3A_5 = arith.subf %get3A_1, %sub3A : vector<10000x128xf32>
    %mul3A = arith.mulf %sub3A_5, %sub3A_5 : vector<10000x128xf32>
    %reduce_sum3A_6 = arith.constant dense<0.000000e+00> : vector<10000xf32>
    %reduce_sum3A_7 = vector.multi_reduction <add>, %mul3A, %reduce_sum3A_6 [1] : vector<10000x128xf32> to vector<10000xf32>
    %broadcast_in_dim3A_8 = vector.shape_cast %reduce_sum3A_7 : vector<10000xf32> to vector<10000x1xf32>
    %div3A_9 = arith.constant 1.280000e+02 : f32
    %div3A_10 = vector.broadcast %div3A_9 : f32 to vector<10000x1xf32>
    %div3A_11 = arith.divf %broadcast_in_dim3A_8, %div3A_10 : vector<10000x1xf32>
    %add3A = arith.constant 9.99999996E-13 : f32
    %add3A_12 = vector.broadcast %add3A : f32 to vector<10000x1xf32>
    %add3A_13 = arith.addf %div3A_11, %add3A_12 : vector<10000x1xf32>
    %rsqrt3A = math.rsqrt %add3A_13 : vector<10000x1xf32>
    %mul3A_14 = vector.broadcast %rsqrt3A : vector<10000x1xf32> to vector<10000x128xf32>
    %mul3A_15 = arith.mulf %sub3A_5, %mul3A_14 : vector<10000x128xf32>
    %get3A_16 = arith.constant 0 : index
    %get3A_17 = vector.load %arg2[%get3A_16] : memref<128xf32, #tpu.memory_space<vmem>>, vector<128xf32>
    %broadcast_in_dim3A_18 = vector.shape_cast %get3A_17 : vector<128xf32> to vector<1x128xf32>
    %mul3A_19 = vector.broadcast %broadcast_in_dim3A_18 : vector<1x128xf32> to vector<10000x128xf32>
    %mul3A_20 = arith.mulf %mul3A_15, %mul3A_19 : vector<10000x128xf32>
    %get3A_21 = arith.constant 0 : index
    %get3A_22 = vector.load %arg3[%get3A_21] : memref<128xf32, #tpu.memory_space<vmem>>, vector<128xf32>
    %broadcast_in_dim3A_23 = vector.shape_cast %get3A_22 : vector<128xf32> to vector<1x128xf32>
    %add3A_24 = vector.broadcast %broadcast_in_dim3A_23 : vector<1x128xf32> to vector<10000x128xf32>
    %add3A_25 = arith.addf %mul3A_20, %add3A_24 : vector<10000x128xf32>
    %swap3A = arith.constant 0 : index
    %swap3A_26 = arith.constant 0 : index
    %swap3A_27 = vector.load %arg4[%swap3A, %swap3A_26] : memref<10000x128xf32, #tpu.memory_space<vmem>>, vector<10000x128xf32>
    tpu.vector_store %arg4[%swap3A, %swap3A_26], %add3A_25 {strides = array<i32>} : memref<10000x128xf32, #tpu.memory_space<vmem>>, vector<10000x128xf32>,
    return
  }
  func.func @transform_0(%arg0: i32) -> (i32, i32) {
    %c0_i32 = arith.constant 0 : i32
    %c0_i32_0 = arith.constant 0 : i32
    return %arg0, %c0_i32 : i32, i32
  }
  func.func @transform_1(%arg0: i32) -> i32 {
    %c0_i32 = arith.constant 0 : i32
    %c0_i32_0 = arith.constant 0 : i32
    return %c0_i32 : i32
  }
  func.func @transform_2(%arg0: i32) -> i32 {
    %c0_i32 = arith.constant 0 : i32
    %c0_i32_0 = arith.constant 0 : i32
    return %c0_i32 : i32
  }
  func.func @transform_3(%arg0: i32) -> (i32, i32) {
    %c0_i32 = arith.constant 0 : i32
    %c0_i32_0 = arith.constant 0 : i32
    return %arg0, %c0_i32 : i32, i32
  }
}

</mosaic_0001>

<sc_bundles>
// kernel: kernel.4.cloned.1.call-start
scs
__scs_entry_jumppad:
0x0: {  	(pc) =	sbr.rel $0x88, $3  }
0x1: {  	(tag) =	ssettag $0x0;
	lr =	simm.s32 $0x1  }
0x2: {  	[smem:$0x3F9D] =	sst lr;
	_ =	strace $0xD0000000  }
0x3: {  	_ = 	snop  }
0x4: {  	_ = 	snop  }
0x5: {  	_ = 	snop  }
0x6: {  	_ = 	snop  }
0x7: {  	_ = 	snop  }
__scs_overlays_trampoline_lowered:
0x8: {  	[smem:$0x3FAC] =	sst s0  }
0x9: {  	[smem:$0x3FAD] =	sst s1  }
0xa: {  	[smem:$0x3FAE] =	sst s2  }
0xb: {  	[smem:$0x3FAF] =	sst s3  }
0xc: {  	[smem:$0x3FB0] =	sst s4  }
0xd: {  	[smem:$0x3FB1] =	sst s5  }
0xe: {  	[smem:$0x3FB2] =	sst s6  }
0xf: {  	[smem:$0x3FB3] =	sst s7  }
0x10: {  	[smem:$0x3FB4] =	sst s8  }
0x11: {  	[smem:$0x3FB5] =	sst s9;
	s0 =	simm.s32 @!p0 $0x0  }
0x12: {  	s1 =	sld [smem:$0x3F9B];
	s0 =	simm.s32 @p0 $0x1  }
0x13: {  	[smem:$0x3FB6] =	sst s0;
	s0 =	simm.s32 @!p1 $0x0  }
0x14: {  	s2 =	sld [smem:$0x3F9A];
	s0 =	simm.s32 @p1 $0x1  }
0x15: {  	[smem:$0x3FB7] =	sst s0;
	s0 =	simm.s32 @!p2 $0x0  }
0x16: {  	s3 =	sld [smem:$0x3FDB];
	s0 =	simm.s32 @p2 $0x1  }
0x17: {  	s4 =	simm.s32 $0x1BF5;
	[smem:$0x3FB9] =	sst s0  }
0x18: {  	s0 =	sld [smem:$0x3F9C];
	_ =	swait.ge [sflag:s4], $0x0  }
0x19: {  	s7 =	sld [smem:$0x3F9D]  }
0x1a: {  	s8 =	sadd.s32 $0xFFFFE003, lr  }
0x1b: {  	s9 =	sadd.s32 $0xFFFFFEF7, lr;
	s5 =	simm.s32 $0xFFFFFFFF;
	p2 =	slt.u32 s8, $0xFFFFF086  }
0x1c: {  	p1 =	slt.u32 s9, $0xF7A;
	s5 =	simm.s32 @!p2 $0x0  }
0x1d: {  	s5 =	simm.s32 @p1 $0x1;
	p0 =	seq.s32 s7, s2  }
0x1e: {  	s7 =	smul.u32 @!p0 $0xF7A, s2;
	p2 =	seq.s32 @!p0 s5, $0x0  }
0x1f: {  	s9 =	smul.u32 $0xF7A, s1;
	s8 =	simm.s32 @!p0 $0x1BF5;
	p2 =	por !p2, p0  }
0x20: {  	[sflag:s8] =	ssyncset.s32 @!p0 $0xFFFFF086;
	s6 =	sadd.s32 @!p0 s3, s7;
	s7 =	simm.s32 @!p0 $0x108  }
0x21: {  	s3 =	sadd.s32 s3, s9;
	s6 =	sadd.s32 @!p0 $0x88, s6;
	s7 =	simm.s32 @p2 $0x1082  }
0x22: {  	[simem:s7], [sflag:s8] =	dma.local @!p0 [hbm:s6], $0xF7A  }
0x23: {  	s9 =	sor.u32 $0xD0000000, s2;
	s6 =	simm.s32 $0x108;
	_ =	swait.ge @!p0 [sflag:s8], $0x0  }
0x24: {  	s3 =	sadd.s32 $0x88, s3;
	s6 =	simm.s32 @!p1 $0x1082;
	[sflag:s4] =	ssyncset.s32 $0xFFFFF086  }
0x25: {  	[simem:s6], [sflag:s4] =	dma.local [hbm:s3], $0xF7A  }
0x26: {  	[smem:$0x3F9D] =	sst s1;
	(tag) =	ssettag s2;
	_ =	strace s9  }
0x27: {  	s1 =	sld [smem:$0x3FAD]  }
0x28: {  	s2 =	sld [smem:$0x3FAE]  }
0x29: {  	s4 =	sld [smem:$0x3FB0]  }
0x2a: {  	p0 =	seq.s32 s5, $0x0;
	s5 =	sld [smem:$0x3FB1]  }
0x2b: {  	s6 =	sld [smem:$0x3FB2]  }
0x2c: {  	s7 =	sld [smem:$0x3FB3]  }
0x2d: {  	s3 =	simm.s32 $0x108;
	s8 =	sld [smem:$0x3FB4]  }
0x2e: {  	s3 =	simm.s32 @!p0 $0x1082;
	s9 =	sld [smem:$0x3FB5]  }
0x2f: {  	lr =	sadd.s32 s0, s3;
	s0 =	sld [smem:$0x3FAC]  }
0x30: {  	s3 =	sld [smem:$0x3FAF]  }
0x31: {  	[smem:$0x3FB8] =	sst s10  }
0x32: {  	s10 =	sld [smem:$0x3FB6];
	_ =	sdelay $0x3  }
0x33: {  	p0 =	seq.s32 s10, $0x1;
	s10 =	sld [smem:$0x3FB8];
	_ =	sdelay $0x3  }
0x34: {  	[smem:$0x3FB8] =	sst s10  }
0x35: {  	s10 =	sld [smem:$0x3FB7];
	_ =	sdelay $0x3  }
0x36: {  	p1 =	seq.s32 s10, $0x1;
	s10 =	sld [smem:$0x3FB8];
	_ =	sdelay $0x3  }
0x37: {  	[smem:$0x3FB8] =	sst s10  }
0x38: {  	s10 =	sld [smem:$0x3FB9]  }
0x39: {  	_ = 	snop;
	(pc) =	sbr.ind lr, $3  }
0x3a: {  	_ = 	snop  }
0x3b: {  	_ = 	snop  }
0x3c: {  	p2 =	seq.s32 s10, $0x1;
	s10 =	sld [smem:$0x3FB8]  }
0x3d: {  	_ =	shalt  }
0x3e: {  	_ =	shalt  }
0x3f: {  	_ =	shalt  }
0x40: {  	_ =	shalt  }
0x41: {  	_ =	shalt  }
0x42: {  	_ =	shalt  }
0x43: {  	_ =	shalt  }
0x44: {  	_ =	shalt  }
0x45: {  	_ =	shalt  }
0x46: {  	_ =	shalt  }
0x47: {  	_ =	shalt  }
0x48: {  	_ =	shalt  }
0x49: {  	_ =	shalt  }
0x4a: {  	_ =	shalt  }
0x4b: {  	_ =	shalt  }
0x4c: {  	_ =	shalt  }
0x4d: {  	_ =	shalt  }
0x4e: {  	_ =	shalt  }
0x4f: {  	_ =	shalt  }
0x50: {  	_ =	shalt  }
0x51: {  	_ =	shalt  }
0x52: {  	_ =	shalt  }
0x53: {  	_ =	shalt  }
0x54: {  	_ =	shalt  }
0x55: {  	_ =	shalt  }
0x56: {  	_ =	shalt  }
0x57: {  	_ =	shalt  }
0x58: {  	_ =	shalt  }
0x59: {  	_ =	shalt  }
0x5a: {  	_ =	shalt  }
0x5b: {  	_ =	shalt  }
0x5c: {  	_ =	shalt  }
0x5d: {  	_ =	shalt  }
0x5e: {  	_ =	shalt  }
0x5f: {  	_ =	shalt  }
0x60: {  	_ =	shalt  }
0x61: {  	_ =	shalt  }
0x62: {  	_ =	shalt  }
0x63: {  	_ =	shalt  }
0x64: {  	_ =	shalt  }
0x65: {  	_ =	shalt  }
0x66: {  	_ =	shalt  }
0x67: {  	_ =	shalt  }
0x68: {  	_ =	shalt  }
0x69: {  	_ =	shalt  }
0x6a: {  	_ =	shalt  }
0x6b: {  	_ =	shalt  }
0x6c: {  	_ =	shalt  }
0x6d: {  	_ =	shalt  }
0x6e: {  	_ =	shalt  }
0x6f: {  	_ =	shalt  }
0x70: {  	_ =	shalt  }
0x71: {  	_ =	shalt  }
0x72: {  	_ =	shalt  }
0x73: {  	_ =	shalt  }
0x74: {  	_ =	shalt  }
0x75: {  	_ =	shalt  }
0x76: {  	_ =	shalt  }
0x77: {  	_ =	shalt  }
0x78: {  	_ =	shalt  }
0x79: {  	_ =	shalt  }
0x7a: {  	_ =	shalt  }
0x7b: {  	_ =	shalt  }
0x7c: {  	_ =	shalt  }
0x7d: {  	_ =	shalt  }
0x7e: {  	_ =	shalt  }
0x7f: {  	_ =	shalt  }
0x80: {  	_ =	shalt  }
0x81: {  	_ =	shalt  }
0x82: {  	_ =	shalt  }
0x83: {  	_ =	shalt  }
0x84: {  	_ =	shalt  }
0x85: {  	_ =	shalt  }
0x86: {  	_ =	shalt  }
0x87: {  	_ =	shalt  }
.Lfunc_end0:
.L_simem_size_0:
called_computation_lowered:
.L_overlay_start_0:
0x88: {  	s2 =	sld [smem:$0x3FD9]  }
0x89: {  	s3 =	sld [smem:$0x3FFE];
	_ =	sdelay $0x1  }
0x8a: {  	s1 =	srdreg.scid  }
0x8b: {  	s0 =	sand.u32 $0x1, s1  }
0x8c: {  	s17 =	sshll.u32 s0, $0xA;
	s2 =	sadd.s32 s3, s2  }
0x8d: {  	s2 =	sadd.s32 s2, s17  }
0x8e: {  	[smem:$0x3FC4] =	sst s2  }
0x8f: {  	_ = 	snop  }
0x90: {  	s2 =	sld [smem:$0x3FD0];
	(tm) =	ssettm $0x1  }
0x91: {  	s18 =	sld [smem:$0x3FFB];
	_ =	sdelay $0x3  }
0x92: {  	_ =	strace s18  }
0x93: {  	s3 =	sld [smem:$0x3FFC];
	_ =	sdelay $0x3  }
0x94: {  	_ =	strace s3  }
0x95: {  	s3 =	sld [smem:$0x3FFD];
	_ =	sdelay $0x3  }
0x96: {  	_ =	strace s3  }
0x97: {  	_ =	strace $0x8FFFFFFF  }
0x98: {  	s19 =	sld [smem:$0x3FDB];
	_ =	sdelay $0x1  }
0x99: {  	s4 =	simm.s32 $_scs_section_size  }
0x9a: {  	s5 =	simm.s32 $_size__tile_overlayer_lowered;
	s6 =	simm.s32 $_tile_overlayer_lowered  }
0x9b: {  	s22 =	simm.s32 $0x1BFF;
	s21 =	sshll.u32 s6, $0x1;
	s3 =	sadd.s32 s4, s19  }
0x9c: {  	s7 =	simm.s32 $0x0;
	s20 =	sshll.u32 s5, $0x1;
	s5 =	sadd.s32 s21, s3  }
0x9d: {  	[timem:s7], [sflag:s22] =	dma.local [hbm:s5], s20  }
0x9e: {  	_ =	swait.ge [sflag:s22], s20  }
0x9f: {  	s4 =	ssub.s32 $0x0, s20;
	[sflag:s22] =	ssyncset.done $0x0  }
0xa0: {  	[sflag:s22] =	ssyncadd.s32 s4;
	_ =	sdelay $0x1  }
0xa1: {  	s23 =	simm.s32 $0x1B8B  }
0xa2: {  	_ =	swait.ge [sflag:s23], $0x1  }
0xa3: {  	[sflag:s23] =	ssyncset.done $0x0  }
0xa4: {  	s25 =	simm.s32 $0x1B8E;
	s24 =	sld [smem:$0x3FFE];
	[sflag:s23] =	ssyncadd.s32 $0xFFFFFFFF  }
0xa5: {  	s26 =	simm.s32 $execute0_lowered;
	[smem:$0x3FD2] =	sst s25  }
0xa6: {  	s5 =	sshll.u32 s26, $0x1;
	_ =	strace $0x80000046;
	[dreg:$0x1] =	wrdreg $0xFFFFFFFF  }
0xa7: {  	s28 =	simm.s32 $_size_execute0_lowered;
	s3 =	sadd.s32 s3, s5;
	[dreg:$0x0] =	wrdreg $0x0  }
0xa8: {  	s5 =	sshll.u32 s28, $0x1;
	[dreg:$0x2] =	wrdreg s3  }
0xa9: {  	[dreg:$0x3] =	wrdreg s5  }
0xaa: {  	[dreg:$0x4] =	wrdreg $0xC0  }
0xab: {  	_ =	task [dreg:s7], $0x5FFFF  }
0xac: {  	[dreg:$0x1] =	wrdreg $0xFFFFFFFF  }
0xad: {  	[dreg:$0x0] =	wrdreg $0x60  }
0xae: {  	[dreg:$0x2] =	wrdreg s24  }
0xaf: {  	[dreg:$0x3] =	wrdreg s2  }
0xb0: {  	[dreg:$0x4] =	wrdreg $0x9  }
0xb1: {  	_ =	task.clear_ibuf [dreg:s7], $0x5FFFF;
	_ =	strace $0x90000046  }
0xb2: {  	s29 =	simm.s32 $0x9;
	_ =	strace $0x80000048  }
0xb3: {  	_ =	swait.ge [sflag:s29], $0x1  }
0xb4: {  	[sflag:s29] =	ssyncadd.s32 $0xFFFFFFFF  }
0xb5: {  	_ =	strace $0x90000048  }
0xb6: {  	_ =	sfence  }
0xb7: {  	s30 =	sld [smem:$0x0];
	_ =	sdelay $0x2  }
0xb8: {  	s31 =	sshll.u32 s1, $0xD;
	s1 =	sshrl.u32 s1, $0x2  }
0xb9: {  	s3 =	sand.u32 $0x4000, s31;
	s1 =	sadd.s32 s1, s30  }
0xba: {  	s0 =	sor.u32 s3, s0;
	s1 =	sshll.u32 s1, $0x11  }
0xbb: {  	s0 =	sor.u32 s1, s0  }
0xbc: {  	s0 =	sadd.s32 $0x8F2B, s0  }
0xbd: {  	[sflag:s0] =	ssyncadd.remote.s32 $0x1  }
0xbe: {  	_ =	sfence.sel $0xFFFF  }
0xbf: {  	[dreg:$0x0] =	wrdreg $0xFFFFFFFF;
	(pc) =	sbr.abs _section_cstart, $3  }
0xc0: {  	[dreg:$0x1] =	wrdreg $0xFFFFFFFF  }
0xc1: {  	_ =	task.clear_ibuf [dreg:s7], $0x2FFFF;
	_ =	strace $0x9FFFFFFF  }
0xc2: {  	(tm) =	ssettm $0x7FFFFFFF  }
0xc3: {  	_ =	shalt  }
tec
execute0_lowered:
.L_overlay_start_1:
0x0: {  	(tag) =	ssettag $0x1  }
0x1: {  	s0 =	rddreg [dreg:$0x0];
	s1 =	srdreg.scid  }
0x2: {  	s6 =	stileid.u32;
	s4 =	rddreg [dreg:$0x1]  }
0x3: {  	s2 =	simm.s32 $0x0;
	s18 =	simm.s32 $0x1900;
	s20 =	simm.s32 $0x3900  }
0x4: {  	s14 =	simm.s32 $0x5900;
	s16 =	simm.s32 $0x7900;
	s22 =	simm.s32 $0x9900  }
0x5: {  	s28 =	simm.s32 $0xF900;
	s29 =	simm.s32 $0x11900;
	s30 =	simm.s32 $0x3  }
0x6: {  	s31 =	simm.s32 $0x4;
	s11 =	simm.s32 $0x7;
	s13 =	simm.s32 $0x8  }
0x7: {  	s15 =	simm.s32 $0x9;
	s17 =	simm.s32 $0xA;
	s19 =	simm.s32 $0xB  }
0x8: {  	s21 =	simm.s32 $0xC;
	s23 =	simm.s32 $0xD;
	s9 =	simm.s32 $0x13  }
0x9: {  	s10 =	simm.s32 $0x14;
	s12 =	simm.s32 $0x0;
	s1 =	sand.u32 $0x1, s1  }
0xa: {  	s3 =	sshll.u32 s6, $0x1;
	[smem:$0x7FF] =	sst s2;
	s6 =	smul.u32 $0x32000, s6  }
0xb: {  	s3 =	sor.u32 s1, s3;
	s5 =	ssub.s32 $0x2, s1;
	s1 =	smul.u32 $0x19000, s1  }
0xc: {  	_ =	strace $0x80000047;
	[dreg:$0x6] =	wrdreg s12;
	s3 =	smul.u32 $0x1900, s3  }
0xd: {  	s8 =	sshrl.u32 s5, $0x1;
	s4 =	sadd.s32 s6, s4;
	s6 =	simm.s32 $0x11  }
0xe: {  	s24 =	ssub.s32 s5, s8;
	s26 =	sadd.s32 s1, s4;
	s8 =	simm.s32 $0x40  }
0xf: {  	s1 =	simm.s32 $0x5;
	s4 =	simm.s32 $0xF;
	s3 =	sshrl.u32 s3, $0x3  }
.Ltmp0:
0x10: {  	s5 =	simm.s32 $0x10;
	s7 =	sadd.s32 s3, s0;
	(pc) =	sbr.rel .LBB2_1-.Ltmp0, $4  }
0x11: {  	s3 =	sadd.s32 $0x6C00, s0;
	s0 =	smax.u32 s24, $0x1;
	s24 =	simm.s32 $0xB900  }
0x12: {  	s25 =	sadd.s32 $0x800, s7;
	[dreg:$0x4] =	wrdreg s0;
	s0 =	sadd.s32 $0x2400, s26  }
0x13: {  	s26 =	simm.s32 $0xD900;
	s7 =	simm.s32 $0x12;
	[dreg:$0x3] =	wrdreg s25  }
0x14: {  	[dreg:$0x5] =	wrdreg s0;
	s0 =	simm.s32 $0x6;
	s25 =	simm.s32 $0xE  }
.LBB2_4:
0x15: {  	_ =	swait.ge [sflag:s21], $0x2000  }
0x16: {  	[sflag:s21] =	ssyncset.done $0x0  }
0x17: {  	[sflag:s21] =	ssyncadd.s32 $0xFFFFE000  }
0x18: {  	_ =	swait.ge [sflag:s23], $0x2000  }
0x19: {  	[sflag:s23] =	ssyncset.done $0x0  }
0x1a: {  	[sflag:s23] =	ssyncadd.s32 $0xFFFFE000  }
0x1b: {  	_ =	swait.ge [sflag:s25], $0x2000  }
0x1c: {  	[sflag:s25] =	ssyncset.done $0x0  }
0x1d: {  	[sflag:s25] =	ssyncadd.s32 $0xFFFFE000  }
0x1e: {  	_ =	swait.ge [sflag:s4], $0x2000  }
0x1f: {  	[sflag:s4] =	ssyncset.done $0x0  }
0x20: {  	[sflag:s4] =	ssyncadd.s32 $0xFFFFE000  }
0x21: {  	_ =	swait.ge [sflag:s5], $0x2000  }
0x22: {  	[sflag:s5] =	ssyncset.done $0x0  }
0x23: {  	[sflag:s5] =	ssyncadd.s32 $0xFFFFE000  }
0x24: {  	_ =	swait.ge [sflag:s6], $0x2000  }
0x25: {  	[sflag:s6] =	ssyncset.done $0x0  }
0x26: {  	[sflag:s6] =	ssyncadd.s32 $0xFFFFE000  }
0x27: {  	_ =	swait.ge [sflag:s7], $0x2000  }
0x28: {  	[sflag:s7] =	ssyncset.done $0x0  }
0x29: {  	[sflag:s7] =	ssyncadd.s32 $0xFFFFE000  }
0x2a: {  	_ =	swait.ge [sflag:s9], $0x2000  }
0x2b: {  	[sflag:s9] =	ssyncset.done $0x0  }
0x2c: {  	[sflag:s9] =	ssyncadd.s32 $0xFFFFE000  }
0x2d: {  	_ =	swait.ge [sflag:s10], $0x2000  }
0x2e: {  	s14 =	rddreg [dreg:$0x6]  }
0x2f: {  	s12 =	rddreg [dreg:$0x4];
	s14 =	sadd.s32 $0x1, s14  }
0x30: {  	p0 =	sne.s32 s14, s12  }
.Ltmp1:
0x31: {  	_ = 	snop;
	(pc) =	sbr.rel @!p0 .LBB2_5-.Ltmp1, $4  }
0x32: {  	s16 =	simm.s32 $0x7900  }
0x33: {  	s22 =	simm.s32 $0x9900;
	s24 =	simm.s32 $0xB900;
	s26 =	simm.s32 $0xD900  }
0x34: {  	s28 =	simm.s32 $0xF900;
	s29 =	simm.s32 $0x11900;
	[sflag:s10] =	ssyncset.done $0x0  }
0x35: {  	[sflag:s10] =	ssyncadd.s32 $0xFFFFE000;
	[dreg:$0x6] =	wrdreg s14;
	s14 =	simm.s32 $0x5900  }
.LBB2_1:
0x36: {  	s12 =	rddreg [dreg:$0x3]  }
0x37: {  	[tilespmem:s2], [sflag:$0x15] =	stream.linear.gather [hbm4b:s12+s2], $0x1900, $0x38;
	[tilespmem:$0x15900] =	vst v63  }
0x38: {  	s12 =	simm.s32 $0x15  }
0x39: {  	_ =	swait.ge [sflag:s12], $0x1900  }
0x3a: {  	[sflag:s12] =	ssyncset.done $0x0  }
0x3b: {  	[sflag:s12] =	ssyncadd.s32 $0xFFFFE700  }
0x3c: {  	[tilespmem:s18], [sflag:$0x1] =	stream.indirect.gather [hbm4b:s3+s8], $0x80, s2, s8, $0xb8;
	[tilespmem:$0x15900] =	vst v63  }
0x3d: {  	_ = 	snop  }
0x3e: {  	[tilespmem:s20], [sflag:$0x2] =	stream.indirect.gather [hbm4b:s3+s8], $0x80, s8, s8, $0xb8;
	[tilespmem:$0x15900] =	vst v63  }
0x3f: {  	s12 =	simm.s32 $0x80  }
0x40: {  	[tilespmem:s14], [sflag:$0x3] =	stream.indirect.gather [hbm4b:s3+s8], $0x80, s12, s8, $0xb8;
	[tilespmem:$0x15900] =	vst v63  }
0x41: {  	s14 =	simm.s32 $0xC0  }
0x42: {  	[tilespmem:s16], [sflag:$0x4] =	stream.indirect.gather [hbm4b:s3+s8], $0x80, s14, s8, $0xb8;
	[tilespmem:$0x15900] =	vst v63  }
0x43: {  	s16 =	simm.s32 $0x100  }
0x44: {  	[tilespmem:s22], [sflag:$0x5] =	stream.indirect.gather [hbm4b:s3+s8], $0x80, s16, s8, $0xb8;
	[tilespmem:$0x15900] =	vst v63  }
0x45: {  	s22 =	simm.s32 $0x140  }
0x46: {  	[tilespmem:s24], [sflag:$0x6] =	stream.indirect.gather [hbm4b:s3+s8], $0x80, s22, s8, $0xb8;
	[tilespmem:$0x15900] =	vst v63  }
0x47: {  	s14 =	simm.s32 $0x180  }
0x48: {  	[tilespmem:s26], [sflag:$0x7] =	stream.indirect.gather [hbm4b:s3+s8], $0x80, s14, s8, $0xb8;
	[tilespmem:$0x15900] =	vst v63  }
0x49: {  	s16 =	simm.s32 $0x1C0  }
0x4a: {  	[tilespmem:s28], [sflag:$0x8] =	stream.indirect.gather [hbm4b:s3+s8], $0x80, s16, s8, $0xb8;
	[tilespmem:$0x15900] =	vst v63  }
0x4b: {  	s12 =	rddreg [dreg:$0x5];
	s22 =	simm.s32 $0x200;
	s24 =	simm.s32 $0x240  }
0x4c: {  	[tilespmem:s29], [sflag:$0x9] =	stream.indirect.gather [hbm4b:s3+s8], $0x80, s22, s8, $0xb8;
	[tilespmem:$0x15900] =	vst v63  }
0x4d: {  	s26 =	simm.s32 $0x13900;
	s14 =	simm.s32 $0x0;
	s28 =	simm.s32 $0xB900  }
0x4e: {  	[tilespmem:s26], [sflag:$0xA] =	stream.indirect.gather [hbm4b:s3+s8], $0x80, s24, s8, $0xb8;
	[tilespmem:$0x15900] =	vst v63  }
0x4f: {  	s22 =	simm.s32 $0x11900;
	s29 =	simm.s32 $0xF900;
	s24 =	simm.s32 $0x7900  }
.LBB2_2:
0x50: {  	s16 =	simm.s32 $0x1  }
0x51: {  	_ =	swait.ge [sflag:s16], $0x2000  }
0x52: {  	[sflag:s16] =	ssyncset.done $0x0  }
0x53: {  	s26 =	sadd.s32 $0xFFFFDC00, s12;
	[sflag:s16] =	ssyncadd.s32 $0xFFFFE000  }
0x54: {  	[hbm4b:s26+s2] =	stream.linear.scatter [tilespmem:s18], [sflag:$0xB], $0x2000, $0x38;
	[tilespmem:$0x15900] =	vst v63  }
0x55: {  	s26 =	simm.s32 $0x2  }
0x56: {  	_ =	swait.ge [sflag:s26], $0x2000  }
0x57: {  	[sflag:s26] =	ssyncset.done $0x0  }
0x58: {  	[sflag:s26] =	ssyncadd.s32 $0xFFFFE000;
	s26 =	sadd.s32 $0xFFFFE000, s12  }
0x59: {  	[hbm4b:s26+s2] =	stream.linear.scatter [tilespmem:s20], [sflag:$0xC], $0x2000, $0x38;
	[tilespmem:$0x15900] =	vst v63  }
0x5a: {  	_ =	swait.ge [sflag:s30], $0x2000  }
0x5b: {  	[sflag:s30] =	ssyncset.done $0x0  }
0x5c: {  	s16 =	sadd.s32 $0xFFFFE400, s12;
	s26 =	simm.s32 $0x5900;
	[sflag:s30] =	ssyncadd.s32 $0xFFFFE000  }
0x5d: {  	[hbm4b:s16+s2] =	stream.linear.scatter [tilespmem:s26], [sflag:$0xD], $0x2000, $0x38;
	[tilespmem:$0x15900] =	vst v63  }
0x5e: {  	_ =	swait.ge [sflag:s31], $0x2000  }
0x5f: {  	[sflag:s31] =	ssyncset.done $0x0  }
0x60: {  	s26 =	sadd.s32 $0xFFFFE800, s12;
	[sflag:s31] =	ssyncadd.s32 $0xFFFFE000  }
0x61: {  	[hbm4b:s26+s2] =	stream.linear.scatter [tilespmem:s24], [sflag:$0xE], $0x2000, $0x38;
	[tilespmem:$0x15900] =	vst v63  }
0x62: {  	_ =	swait.ge [sflag:s1], $0x2000  }
0x63: {  	[sflag:s1] =	ssyncset.done $0x0  }
0x64: {  	s16 =	sadd.s32 $0xFFFFEC00, s12;
	s26 =	simm.s32 $0x9900;
	[sflag:s1] =	ssyncadd.s32 $0xFFFFE000  }
0x65: {  	[hbm4b:s16+s2] =	stream.linear.scatter [tilespmem:s26], [sflag:$0xF], $0x2000, $0x38;
	[tilespmem:$0x15900] =	vst v63  }
0x66: {  	_ =	swait.ge [sflag:s0], $0x2000  }
0x67: {  	[sflag:s0] =	ssyncset.done $0x0  }
0x68: {  	s26 =	sadd.s32 $0xFFFFF000, s12;
	[sflag:s0] =	ssyncadd.s32 $0xFFFFE000  }
0x69: {  	[hbm4b:s26+s2] =	stream.linear.scatter [tilespmem:s28], [sflag:$0x10], $0x2000, $0x38;
	[tilespmem:$0x15900] =	vst v63  }
0x6a: {  	_ =	swait.ge [sflag:s11], $0x2000  }
0x6b: {  	[sflag:s11] =	ssyncset.done $0x0  }
0x6c: {  	s16 =	sadd.s32 $0xFFFFF400, s12;
	s26 =	simm.s32 $0xD900;
	[sflag:s11] =	ssyncadd.s32 $0xFFFFE000  }
0x6d: {  	[hbm4b:s16+s2] =	stream.linear.scatter [tilespmem:s26], [sflag:$0x11], $0x2000, $0x38;
	[tilespmem:$0x15900] =	vst v63  }
0x6e: {  	_ =	swait.ge [sflag:s13], $0x2000  }
0x6f: {  	[sflag:s13] =	ssyncset.done $0x0  }
0x70: {  	s26 =	sadd.s32 $0xFFFFF800, s12;
	[sflag:s13] =	ssyncadd.s32 $0xFFFFE000  }
0x71: {  	[hbm4b:s26+s2] =	stream.linear.scatter [tilespmem:s29], [sflag:$0x12], $0x2000, $0x38;
	[tilespmem:$0x15900] =	vst v63  }
0x72: {  	_ =	swait.ge [sflag:s15], $0x2000  }
0x73: {  	[sflag:s15] =	ssyncset.done $0x0  }
0x74: {  	s26 =	sadd.s32 $0xFFFFFC00, s12;
	[sflag:s15] =	ssyncadd.s32 $0xFFFFE000  }
0x75: {  	[hbm4b:s26+s2] =	stream.linear.scatter [tilespmem:s22], [sflag:$0x13], $0x2000, $0x38;
	[tilespmem:$0x15900] =	vst v63  }
0x76: {  	_ =	swait.ge [sflag:s17], $0x2000  }
0x77: {  	p0 =	seq.s32 s14, $0x5A00;
	[sflag:s17] =	ssyncset.done $0x0  }
.Ltmp2:
0x78: {  	s26 =	simm.s32 $0x13900;
	[sflag:s17] =	ssyncadd.s32 $0xFFFFE000;
	(pc) =	sbr.rel @p0 .LBB2_4-.Ltmp2, $4  }
0x79: {  	[hbm4b:s12+s2] =	stream.linear.scatter [tilespmem:s26], [sflag:$0x14], $0x2000, $0x38;
	[tilespmem:$0x15900] =	vst v63  }
0x7a: {  	_ =	swait.ge [sflag:s19], $0x2000  }
0x7b: {  	[sflag:s19] =	ssyncset.done $0x0  }
0x7c: {  	[sflag:s19] =	ssyncadd.s32 $0xFFFFE000  }
0x7d: {  	s16 =	sshra.s32 s14, $0x2  }
0x7e: {  	s20 =	simm.s32 $0x1900;
	s18 =	sadd.s32 $0x280, s16  }
0x7f: {  	[tilespmem:s20], [sflag:$0x1] =	stream.indirect.gather [hbm4b:s3+s8], $0x80, s18, s8, $0xb8;
	[tilespmem:$0x15900] =	vst v63  }
0x80: {  	_ =	swait.ge [sflag:s21], $0x2000  }
0x81: {  	[sflag:s21] =	ssyncset.done $0x0  }
0x82: {  	s26 =	sadd.s32 $0x2C0, s16;
	s20 =	simm.s32 $0x3900;
	[sflag:s21] =	ssyncadd.s32 $0xFFFFE000  }
0x83: {  	[tilespmem:s20], [sflag:$0x2] =	stream.indirect.gather [hbm4b:s3+s8], $0x80, s26, s8, $0xb8;
	[tilespmem:$0x15900] =	vst v63  }
0x84: {  	_ =	swait.ge [sflag:s23], $0x2000  }
0x85: {  	[sflag:s23] =	ssyncset.done $0x0  }
0x86: {  	s18 =	sadd.s32 $0x300, s16;
	s26 =	simm.s32 $0x5900;
	[sflag:s23] =	ssyncadd.s32 $0xFFFFE000  }
0x87: {  	[tilespmem:s26], [sflag:$0x3] =	stream.indirect.gather [hbm4b:s3+s8], $0x80, s18, s8, $0xb8;
	[tilespmem:$0x15900] =	vst v63  }
0x88: {  	_ =	swait.ge [sflag:s25], $0x2000  }
0x89: {  	[sflag:s25] =	ssyncset.done $0x0  }
0x8a: {  	s26 =	sadd.s32 $0x340, s16;
	[sflag:s25] =	ssyncadd.s32 $0xFFFFE000  }
0x8b: {  	[tilespmem:s24], [sflag:$0x4] =	stream.indirect.gather [hbm4b:s3+s8], $0x80, s26, s8, $0xb8;
	[tilespmem:$0x15900] =	vst v63  }
0x8c: {  	_ =	swait.ge [sflag:s4], $0x2000  }
0x8d: {  	[sflag:s4] =	ssyncset.done $0x0  }
0x8e: {  	s18 =	sadd.s32 $0x380, s16;
	s26 =	simm.s32 $0x9900;
	[sflag:s4] =	ssyncadd.s32 $0xFFFFE000  }
0x8f: {  	[tilespmem:s26], [sflag:$0x5] =	stream.indirect.gather [hbm4b:s3+s8], $0x80, s18, s8, $0xb8;
	[tilespmem:$0x15900] =	vst v63  }
0x90: {  	_ =	swait.ge [sflag:s5], $0x2000  }
0x91: {  	[sflag:s5] =	ssyncset.done $0x0  }
0x92: {  	s26 =	sadd.s32 $0x3C0, s16;
	[sflag:s5] =	ssyncadd.s32 $0xFFFFE000  }
0x93: {  	[tilespmem:s28], [sflag:$0x6] =	stream.indirect.gather [hbm4b:s3+s8], $0x80, s26, s8, $0xb8;
	[tilespmem:$0x15900] =	vst v63  }
0x94: {  	_ =	swait.ge [sflag:s6], $0x2000  }
0x95: {  	[sflag:s6] =	ssyncset.done $0x0  }
0x96: {  	s18 =	sadd.s32 $0x400, s16;
	s26 =	simm.s32 $0xD900;
	[sflag:s6] =	ssyncadd.s32 $0xFFFFE000  }
0x97: {  	[tilespmem:s26], [sflag:$0x7] =	stream.indirect.gather [hbm4b:s3+s8], $0x80, s18, s8, $0xb8;
	[tilespmem:$0x15900] =	vst v63  }
0x98: {  	_ =	swait.ge [sflag:s7], $0x2000  }
0x99: {  	[sflag:s7] =	ssyncset.done $0x0  }
0x9a: {  	s26 =	sadd.s32 $0x440, s16;
	[sflag:s7] =	ssyncadd.s32 $0xFFFFE000  }
0x9b: {  	[tilespmem:s29], [sflag:$0x8] =	stream.indirect.gather [hbm4b:s3+s8], $0x80, s26, s8, $0xb8;
	[tilespmem:$0x15900] =	vst v63  }
0x9c: {  	_ =	swait.ge [sflag:s9], $0x2000  }
0x9d: {  	[sflag:s9] =	ssyncset.done $0x0  }
0x9e: {  	s26 =	sadd.s32 $0x480, s16;
	[sflag:s9] =	ssyncadd.s32 $0xFFFFE000  }
0x9f: {  	[tilespmem:s22], [sflag:$0x9] =	stream.indirect.gather [hbm4b:s3+s8], $0x80, s26, s8, $0xb8;
	[tilespmem:$0x15900] =	vst v63  }
.Ltmp3:
0xa0: {  	_ = 	snop;
	(pc) =	sbr.rel .LBB2_2-.Ltmp3, $4  }
0xa1: {  	s14 =	sadd.s32 $0xA00, s14;
	_ =	swait.ge [sflag:s10], $0x2000  }
0xa2: {  	s12 =	sadd.s32 $0x2800, s12;
	s18 =	simm.s32 $0x1900;
	[sflag:s10] =	ssyncset.done $0x0  }
0xa3: {  	s16 =	sadd.s32 $0x4C0, s16;
	s26 =	simm.s32 $0x13900;
	[sflag:s10] =	ssyncadd.s32 $0xFFFFE000  }
0xa4: {  	[tilespmem:s26], [sflag:$0xA] =	stream.indirect.gather [hbm4b:s3+s8], $0x80, s16, s8, $0xb8;
	[tilespmem:$0x15900] =	vst v63  }
.LBB2_5:
0xa5: {  	_ =	sfence.sel $0x180000  }
0xa6: {  	[bflag:$0x0] =	sbarrier.arrive $0xFFFF  }
0xa7: {  	_ =	strace $0x90000047  }
0xa8: {  	s0 =	stileid.u32;
	[bflag:$0x2] =	sbarrier.arrive $0xFFFF  }
0xa9: {  	p0 =	sne.s32 s0, $0x0;
	s0 =	rddreg [dreg:$0x2]  }
0xaa: {  	s0 =	sadd.s32 @!p0 $0x100000, s0  }
0xab: {  	[sflag:s0] =	ssyncadd.tile.s32 @!p0 $0x1;
	_ =	shalt  }
.Lfunc_end2:
_tile_overlayer_lowered:
.L_overlay_start_2:
0xac: {  	(tag) =	ssettag $0x2  }
0xad: {  	s0 =	rddreg [dreg:$0x0];
	s2 =	stileid.u32  }
0xae: {  	s1 =	rddreg [dreg:$0x1];
	p0 =	sne.s32 s2, $0x0  }
0xaf: {  	s3 =	rddreg [dreg:$0x2];
	[bflag:$0x3] =	sbarrier.arrive $0xFFFF;
	s2 =	simm.s32 @!p0 $0x1C15  }
0xb0: {  	[timem:s3], [sflag:s2] =	dma.local @!p0 [hbm:s0], s1  }
0xb1: {  	s0 =	simm.s32 @!p0 $0x15  }
0xb2: {  	_ =	swait.ge @!p0 [sflag:s0], s1  }
0xb3: {  	s1 =	ssub.s32 @!p0 $0x0, s1;
	[sflag:s0] =	ssyncset.done @!p0 $0x0  }
0xb4: {  	[sflag:s0] =	ssyncadd.s32 @!p0 s1  }
0xb5: {  	[bflag:$0x3] =	sbarrier.arrive $0xFFFF  }
0xb6: {  	_ =	shalt  }

</sc_bundles>
